<compile_context>
chip_gen: v7x
topology: tpu7x:2x2x1
jax: 0.10.2.dev20260603
libtpu: 0.0.44.dev20260713+nightly
codegen_flags: <defaults>
</compile_context>

<pallas_src>
import functools

import jax
import jax.numpy as jnp
from jax import lax
from jax.experimental import pallas as pl
from jax.experimental.pallas import tpu as pltpu
from jax.experimental.pallas import tpu_sc as plsc

TS = 128
HS = 128
K = 64
T = 32768
L = 64

BLK = 8192
NB = T // BLK
MID = NB
NSTEPS = 2 * NB + 1

_HI = jax.lax.Precision.HIGHEST


def _sc_topic_mean(topic, emb):
    mesh = plsc.VectorSubcoreMesh(core_axis_name="c", subcore_axis_name="s")

    @functools.partial(
        pl.kernel,
        out_type=jax.ShapeDtypeStruct((TS,), jnp.float32),
        mesh=mesh,
        scratch_types=[
            pltpu.VMEM((L,), jnp.int32),
            pltpu.VMEM((L, TS), jnp.float32),
            pltpu.VMEM((16,), jnp.float32),
            pltpu.SemaphoreType.DMA,
        ],
    )
    def k(topic_hbm, emb_hbm, out_hbm, idx_v, rows_v, acc_v, sem):
        cid = lax.axis_index("c")
        sid = lax.axis_index("s")

        @pl.when(jnp.logical_and(cid == 0, sid < TS // 16))
        def _():
            pltpu.sync_copy(topic_hbm, idx_v)
            pltpu.async_copy(emb_hbm.at[idx_v], rows_v, sem).wait()
            chunk = pl.ds(sid * 16, 16)

            def body(r, acc):
                return acc + rows_v[r, chunk]

            acc = lax.fori_loop(0, L, body, jnp.zeros((16,), jnp.float32))
            acc_v[...] = acc * (1.0 / L)
            pltpu.sync_copy(acc_v, out_hbm.at[chunk])

    return k(topic, emb)


def _sc_copy(vs, hs, v):
    mesh = plsc.VectorSubcoreMesh(core_axis_name="c", subcore_axis_name="s")
    NW = 32
    CH = T // NW

    @functools.partial(
        pl.kernel,
        out_type=[jax.ShapeDtypeStruct((T + 1, TS), jnp.float32),
                  jax.ShapeDtypeStruct((T + 1, 1, HS), jnp.float32)],
        mesh=mesh,
        scratch_types=[pltpu.SemaphoreType.DMA, pltpu.SemaphoreType.DMA,
                       pltpu.SemaphoreType.DMA],
    )
    def k(vs_hbm, hs_hbm, v_hbm, vsn_hbm, hsn_hbm, sem1, sem2, sem3):
        w = lax.axis_index("s") * 2 + lax.axis_index("c")
        base = w * CH
        cp1 = pltpu.make_async_copy(vs_hbm.at[pl.ds(base, CH)],
                                    vsn_hbm.at[pl.ds(base, CH)], sem1)
        cp1.start()
        cp2 = pltpu.make_async_copy(hs_hbm.at[pl.ds(base, CH)],
                                    hsn_hbm.at[pl.ds(base, CH)], sem2)
        cp2.start()

        @pl.when(w == 0)
        def _():
            cp3 = pltpu.make_async_copy(v_hbm, vsn_hbm.at[T], sem3)
            cp3.start()
            cp3.wait()

        cp1.wait()
        cp2.wait()

    return k(vs, hs, v)


def _sortable(x):
    u = lax.bitcast_convert_type(x, jnp.int32)
    return jnp.where(u >= 0, u, u ^ jnp.int32(0x7FFFFFFF))


def _tc_body(v_ref, s_ref, h_ref, vs_ref, hs_ref, wihT_ref, whhT_ref,
             bih_ref, bhh_ref, wsc_ref, bsc_ref,
             sc_out, hnew_out, vsn_out, hsn_out,
             alpha_ref, acc_ref, hrow_ref, stat_ref, hsbuf,
             in_sems, out_sems, last_sem):
    i = pl.program_id(0)

    @pl.when(i < NB)
    def _vs_phase():
        pltpu.make_async_copy(hs_ref.at[pl.ds(i * BLK, BLK), 0],
                              hsbuf.at[i], in_sems.at[i]).start()
        blk = vs_ref[...]
        vsn_out[...] = blk
        a_row = lax.dot_general(v_ref[...], blk, (((1,), (1,)), ((), ())),
                                preferred_element_type=jnp.float32,
                                precision=_HI)
        alpha_ref[pl.ds(i, 1), :] = a_row

    @pl.when(i == MID)
    def _mid_phase():
        v = v_ref[...]
        vsn_out[0:1, :] = v

        s = s_ref[0, 0]
        ge = (s >= 0.5).astype(jnp.float32)
        xa = v * ge
        xb = v * (1.0 - ge)
        gi = (lax.dot_general(xa, wihT_ref[0:TS, :], (((1,), (0,)), ((), ())),
                              preferred_element_type=jnp.float32, precision=_HI)
              + lax.dot_general(xb, wihT_ref[TS:2 * TS, :],
                                (((1,), (0,)), ((), ())),
                                preferred_element_type=jnp.float32,
                                precision=_HI)
              + s * wihT_ref[2 * TS:2 * TS + 1, :]
              + bih_ref[...])
        hrow = h_ref[...]
        gh = (lax.dot_general(hrow, whhT_ref[...], (((1,), (0,)), ((), ())),
                              preferred_element_type=jnp.float32, precision=_HI)
              + bhh_ref[...])
        r = jax.nn.sigmoid(gi[:, 0:HS] + gh[:, 0:HS])
        z = jax.nn.sigmoid(gi[:, HS:2 * HS] + gh[:, HS:2 * HS])
        n = jnp.tanh(gi[:, 2 * HS:3 * HS] + r * gh[:, 2 * HS:3 * HS])
        h_new = (1.0 - z) * n + z * hrow
        hnew_out[...] = h_new
        hrow_ref[...] = h_new
        pltpu.make_async_copy(hrow_ref, hsn_out.at[pl.ds(T, 1), 0],
                              last_sem).start()

        al = alpha_ref[...]
        m = jnp.max(al)
        key = _sortable(al)

        def bis(_, lohi):
            lo, hi = lohi
            mid = (lo >> 1) + (hi >> 1) + (lo & hi & 1)
            cnt = jnp.sum((key >= mid).astype(jnp.int32))
            return jnp.where(cnt >= K, mid, lo), jnp.where(cnt >= K, hi, mid - 1)

        lo, hi = lax.fori_loop(0, 34, bis, (jnp.min(key), jnp.max(key)))
        w = jnp.where(key >= lo, jnp.exp(al - m), 0.0)
        alpha_ref[...] = w
        stat_ref[0] = jnp.sum(w)
        acc_ref[...] = jnp.zeros((1, HS), jnp.float32)

    @pl.when(i > MID)
    def _hs_phase():
        j = i - (MID + 1)
        pltpu.make_async_copy(hs_ref.at[pl.ds(j * BLK, BLK), 0],
                              hsbuf.at[j], in_sems.at[j]).wait()
        blk = hsbuf[j]
        w_row = alpha_ref[pl.ds(j, 1), :]
        acc_ref[...] += lax.dot_general(w_row, blk, (((1,), (0,)), ((), ())),
                                        preferred_element_type=jnp.float32,
                                        precision=_HI)
        pltpu.make_async_copy(hsbuf.at[j], hsn_out.at[pl.ds(j * BLK, BLK), 0],
                              out_sems.at[j]).start()

    @pl.when(i == NSTEPS - 1)
    def _fin():
        attn = acc_ref[...] / stat_ref[0]
        sc = (jnp.sum(v_ref[...] * wsc_ref[:, 0:TS])
              + jnp.sum(attn * wsc_ref[:, TS:TS + HS])
              + jnp.sum(h_ref[...] * wsc_ref[:, TS + HS:TS + 2 * HS])
              + wsc_ref[0, TS + 2 * HS] * float(K)
              + bsc_ref[0, 0])
        sc_out[...] = sc.reshape(1, 1)
        for j in range(NB):
            pltpu.make_async_copy(hsbuf.at[j],
                                  hsn_out.at[pl.ds(j * BLK, BLK), 0],
                                  out_sems.at[j]).wait()
        pltpu.make_async_copy(hrow_ref, hsn_out.at[pl.ds(T, 1), 0],
                              last_sem).wait()


def _tc_main(v_row, score, h_row, vs, hs2, wihT, whhT, bih, bhh, wsc, bsc):
    whole = lambda shape: pl.BlockSpec(shape, lambda i: tuple(0 for _ in shape))
    return pl.pallas_call(
        _tc_body,
        grid=(NSTEPS,),
        in_specs=[
            whole((1, TS)),
            whole((1, 1)),
            whole((1, HS)),
            pl.BlockSpec((BLK, TS), lambda i: (jnp.minimum(i, NB - 1), 0)),
            pl.BlockSpec(memory_space=pl.ANY),
            whole((2 * TS + 1, 3 * HS)),
            whole((HS, 3 * HS)),
            whole((1, 3 * HS)),
            whole((1, 3 * HS)),
            whole((1, TS + 2 * HS + 1)),
            whole((1, 1)),
        ],
        out_specs=[
            whole((1, 1)),
            whole((1, HS)),
            pl.BlockSpec((BLK, TS), lambda i: (jnp.minimum(i, NB), 0)),
            pl.BlockSpec(memory_space=pl.ANY),
        ],
        out_shape=[
            jax.ShapeDtypeStruct((1, 1), jnp.float32),
            jax.ShapeDtypeStruct((1, HS), jnp.float32),
            jax.ShapeDtypeStruct((T + 1, TS), jnp.float32),
            jax.ShapeDtypeStruct((T + 1, 1, HS), jnp.float32),
        ],
        scratch_shapes=[
            pltpu.VMEM((NB, BLK), jnp.float32),
            pltpu.VMEM((1, HS), jnp.float32),
            pltpu.VMEM((1, HS), jnp.float32),
            pltpu.SMEM((2,), jnp.float32),
            pltpu.VMEM((NB, BLK, HS), jnp.float32),
            pltpu.SemaphoreType.DMA((NB,)),
            pltpu.SemaphoreType.DMA((NB,)),
            pltpu.SemaphoreType.DMA,
        ],
    )(v_row, score, h_row, vs, hs2, wihT, whhT, bih, bhh, wsc, bsc)


def kernel(topic, score, time, h, vs, hs, emb, W_ih, W_hh, b_ih, b_hh,
           W_score, b_score):
    del time
    v = _sc_topic_mean(topic.astype(jnp.int32), emb)
    sc, h_new, vs_new, hs_new = _tc_main(
        v.reshape(1, TS), score.reshape(1, 1), h.reshape(1, HS),
        vs, hs,
        W_ih.T, W_hh.T, b_ih.reshape(1, -1), b_hh.reshape(1, -1),
        W_score, b_score.reshape(1, 1))
    return sc, h_new.reshape(1, 1, HS), vs_new, hs_new

# --- scband reference (transcript-rebuilt; emitter-appended) ---
"""Pipeline reference for scband-lstma-42855183679638 (READ-ONLY COPY).

The authoritative reference and input builder live on the scoring server;
editing this copy changes nothing except your own understanding.
"""

import jax, jax.numpy as jnp
import numpy as np

WCNT = 100000
EMB = 128
TS = 128
HS = 128
K = 64
T = 32768
L = 64


def setup_inputs(seed: int = 0) -> dict:
    key = jax.random.key(seed)
    ks = jax.random.split(key, 10)
    topic = jax.random.randint(ks[0], (L,), 0, WCNT)
    score = jax.random.uniform(ks[1], (1,), dtype=jnp.float32)
    h = jax.random.normal(ks[2], (1, 1, HS), dtype=jnp.float32)
    vs = jax.random.normal(ks[3], (T, TS), dtype=jnp.float32)
    hs = jax.random.normal(ks[4], (T, 1, HS), dtype=jnp.float32)
    emb = jax.random.normal(ks[5], (WCNT, EMB), dtype=jnp.float32) * 0.02
    emb = emb.at[0].set(0.0)  # padding_idx=0
    in_size = TS * 2 + 1  # score_mode='double'
    W_ih = jax.random.normal(ks[6], (3 * HS, in_size), dtype=jnp.float32) * 0.05
    W_hh = jax.random.normal(ks[7], (3 * HS, HS), dtype=jnp.float32) * 0.05
    b_ih = jnp.zeros((3 * HS,), dtype=jnp.float32)
    b_hh = jnp.zeros((3 * HS,), dtype=jnp.float32)
    h_size = HS * 2 + 1  # with_last=True
    W_score = jax.random.normal(ks[8], (1, TS + h_size), dtype=jnp.float32) * 0.05
    b_score = jnp.zeros((1,), dtype=jnp.float32)
    return {"topic": topic, "score": score, "time": 0, "h": h, "vs": vs, "hs": hs,
            "emb": emb, "W_ih": W_ih, "W_hh": W_hh, "b_ih": b_ih, "b_hh": b_hh,
            "W_score": W_score, "b_score": b_score}


def _gru_cell(x, h, W_ih, W_hh, b_ih, b_hh):
    gi = W_ih @ x + b_ih
    gh = W_hh @ h + b_hh
    i_r, i_z, i_n = jnp.split(gi, 3)
    h_r, h_z, h_n = jnp.split(gh, 3)
    r = jax.nn.sigmoid(i_r + h_r)
    z = jax.nn.sigmoid(i_z + h_z)
    n = jnp.tanh(i_n + r * h_n)
    return (1.0 - z) * n + z * h


def reference(topic, score, time, h, vs, hs, emb, W_ih, W_hh, b_ih, b_hh, W_score, b_score):
    # LSTMA.forward with hidden=(h, vs, hs)
    topic_v = jnp.take(emb, topic, axis=0).mean(axis=0, keepdims=True)  # [1, TS]
    v = topic_v[0]  # [TS]
    # AttnSeqModel attention over history
    alpha = vs @ v  # [T]
    k = min(vs.shape[0], K)
    alpha_k, idx = jax.lax.top_k(alpha, k)
    alpha_sm = jax.nn.softmax(alpha_k.reshape(1, -1), axis=-1)  # [1, k]
    length = jnp.array([float(k)], dtype=jnp.float32)
    hs_flat = hs.reshape(-1, HS)  # [T, HS] (num_layers=1)
    attn_h = (alpha_sm @ jnp.take(hs_flat, idx, axis=0)).reshape(-1)  # [HS]
    # with_last=True
    pred_v = jnp.concatenate([v, attn_h, h.reshape(-1), length]).reshape(1, -1)
    sc = pred_v @ W_score.T + b_score  # [1, 1]
    s = score  # [1]
    # score_mode='double'
    x = jnp.concatenate([v * (s >= 0.5).astype(v.dtype),
                         v * (s < 0.5).astype(v.dtype),
                         s])  # [2*TS+1]
    h_new = _gru_cell(x, h.reshape(-1), W_ih, W_hh, b_ih, b_hh).reshape(1, 1, HS)
    # update hidden history
    vs_new = jnp.concatenate([vs, topic_v], axis=0)
    hs_new = jnp.concatenate([hs, h_new.reshape(1, 1, HS)], axis=0)
    return sc, h_new, vs_new, hs_new

if __name__ == "__main__":
    import jax
    _d = setup_inputs()
    print(jax.jit(kernel)(*tuple(_d.values())))

</pallas_src>

<mosaic_0001>
#map = affine_map<(d0, d1) -> (0)>
#map1 = affine_map<(d0, d1) -> (0, 0)>
module attributes {stable_mosaic.version = 14 : i64} {
  func.func @k(%arg0: i32, %arg1: i32, %arg2: memref<64xi32, #tpu.memory_space<hbm>>, %arg3: memref<100000x128xf32, #tpu.memory_space<hbm>>, %arg4: memref<128xf32, #tpu.memory_space<hbm>>, %arg5: memref<64xi32, #tpu.memory_space<vmem>>, %arg6: memref<64x128xf32, #tpu.memory_space<vmem>>, %arg7: memref<16xf32, #tpu.memory_space<vmem>>, %arg8: memref<!tpu.dma_semaphore, #tpu.memory_space<semaphore_mem>>) attributes {dimension_semantics = [#tpu.dimension_semantics<core_parallel>, #tpu.dimension_semantics<subcore_parallel>], iteration_bounds = array<i64: 2, 16>, scalar_prefetch = 0 : i64, scratch_operands = 4 : i64, tpu.core_type = #tpu.core_type<sc_vector_subcore>, window_params = [{transform_indices = #map}, {transform_indices = #map1}, {transform_indices = #map}]} {
    %eq3A = arith.constant 0 : i32
    %eq3A_0 = arith.cmpi eq, %arg0, %eq3A : i32
    %lt3A = arith.constant 8 : i32
    %lt3A_1 = arith.cmpi slt, %arg1, %lt3A : i32
    %and3A = arith.andi %eq3A_0, %lt3A_1 : i1
    %convert_element_type3A = arith.extui %and3A : i1 to i32
    %cond3A = arith.constant 0 : i32
    %cond3A_2 = arith.cmpi ne, %convert_element_type3A, %cond3A : i32
    scf.if %cond3A_2 {
      "tpu.region"() ({
        %run_scoped3A = tpu.sem_alloc : memref<!tpu.dma_semaphore, #tpu.memory_space<semaphore_mem>>
        tpu.enqueue_dma source(%arg2 : memref<64xi32, #tpu.memory_space<hbm>>) target(%arg5 : memref<64xi32, #tpu.memory_space<vmem>>) target_semaphore(%run_scoped3A : memref<!tpu.dma_semaphore, #tpu.memory_space<semaphore_mem>>)
        tpu.wait_dma2 semaphore(%run_scoped3A : memref<!tpu.dma_semaphore, #tpu.memory_space<semaphore_mem>>) src(%arg2 : memref<64xi32, #tpu.memory_space<hbm>>) dst(%arg5 : memref<64xi32, #tpu.memory_space<vmem>>)
        tpu.yield
      }) : () -> ()
      %dma_start3A = arith.constant 0 : i32
      %dma_start3A_3 = arith.constant 0 : i32
      %dma_start3A_4 = tpu.memref_slice %arg3[%dma_start3A, %dma_start3A_3] : memref<100000x128xf32, #tpu.memory_space<hbm>> -> memref<100000x128xf32, #tpu.memory_space<hbm>>
      tpu.enqueue_indirect_dma source(%dma_start3A_4 : memref<100000x128xf32, #tpu.memory_space<hbm>>) target(%arg6 : memref<64x128xf32, #tpu.memory_space<vmem>>) offsets(%arg5 : memref<64xi32, #tpu.memory_space<vmem>>) semaphore(%arg8 : memref<!tpu.dma_semaphore, #tpu.memory_space<semaphore_mem>>)
      %dma_wait3A = arith.constant 0 : i32
      %dma_wait3A_5 = arith.constant 0 : i32
      %dma_wait3A_6 = tpu.memref_slice %arg3[%dma_wait3A, %dma_wait3A_5] : memref<100000x128xf32, #tpu.memory_space<hbm>> -> memref<100000x128xf32, #tpu.memory_space<hbm>>
      tpu.wait_indirect_dma semaphore(%arg8 : memref<!tpu.dma_semaphore, #tpu.memory_space<semaphore_mem>>) src(%dma_wait3A_6 : memref<100000x128xf32, #tpu.memory_space<hbm>>) dst(%arg6 : memref<64x128xf32, #tpu.memory_space<vmem>>)
      %mul3A = arith.constant 16 : i32
      %mul3A_7 = arith.muli %arg1, %mul3A : i32
      %broadcast_in_dim3A = arith.constant 0.000000e+00 : f32
      %broadcast_in_dim3A_8 = vector.broadcast %broadcast_in_dim3A : f32 to vector<16xf32>
      %scan3A = arith.constant 0 : i32
      %scan3A_9 = arith.constant 64 : i32
      %scan3A_10 = arith.addi %scan3A, %scan3A_9 : i32
      %scan3A_11 = arith.constant 1 : i32
      %scan3A_12 = scf.for %scan3A_20 = %scan3A to %scan3A_10 step %scan3A_11 iter_args(%scan3A_21 = %broadcast_in_dim3A_8) -> (vector<16xf32>)  : i32 {
        %get3A = arith.index_cast %scan3A_20 : i32 to index
        %get3A_22 = arith.index_cast %mul3A_7 : i32 to index
        %get3A_23 = tpu.vector_load %arg6[%get3A, %get3A_22] {strides = array<i32>} : memref<64x128xf32, #tpu.memory_space<vmem>>, vector<1x16xf32>,
        %get3A_24 = vector.shape_cast %get3A_23 : vector<1x16xf32> to vector<16xf32>
        %add3A = arith.addf %scan3A_21, %get3A_24 : vector<16xf32>
        scf.yield %add3A : vector<16xf32>
      }
      %scan3A_13 = arith.constant 64 : i32
      %mul3A_14 = arith.constant 1.562500e-02 : f32
      %mul3A_15 = vector.broadcast %mul3A_14 : f32 to vector<16xf32>
      %mul3A_16 = arith.mulf %scan3A_12, %mul3A_15 : vector<16xf32>
      %swap3A = arith.constant 0 : index
      %swap3A_17 = tpu.vector_load %arg7[%swap3A] {strides = array<i32>} : memref<16xf32, #tpu.memory_space<vmem>>, vector<16xf32>,
      %swap3A_18 = vector.shape_cast %swap3A_17 : vector<16xf32> to vector<16xf32>
      %swap3A_19 = vector.shape_cast %mul3A_16 : vector<16xf32> to vector<16xf32>
      tpu.vector_store %arg7[%swap3A], %swap3A_19 {strides = array<i32>} : memref<16xf32, #tpu.memory_space<vmem>>, vector<16xf32>,
      "tpu.region"() ({
        %run_scoped3A = tpu.sem_alloc : memref<!tpu.dma_semaphore, #tpu.memory_space<semaphore_mem>>
        %dma_start3A_20 = tpu.memref_slice %arg4[%mul3A_7] : memref<128xf32, #tpu.memory_space<hbm>> -> memref<16xf32, #tpu.memory_space<hbm>>
        %dma_start3A_21 = tpu.memref_slice %arg4[%mul3A_7] : memref<128xf32, #tpu.memory_space<hbm>> -> memref<16xf32, #tpu.memory_space<hbm>>
        tpu.enqueue_dma source(%arg7 : memref<16xf32, #tpu.memory_space<vmem>>) target(%dma_start3A_21 : memref<16xf32, #tpu.memory_space<hbm>>) target_semaphore(%run_scoped3A : memref<!tpu.dma_semaphore, #tpu.memory_space<semaphore_mem>>)
        %dma_wait3A_22 = tpu.memref_slice %arg4[%mul3A_7] : memref<128xf32, #tpu.memory_space<hbm>> -> memref<16xf32, #tpu.memory_space<hbm>>
        %dma_wait3A_23 = tpu.memref_slice %arg4[%mul3A_7] : memref<128xf32, #tpu.memory_space<hbm>> -> memref<16xf32, #tpu.memory_space<hbm>>
        tpu.wait_dma2 semaphore(%run_scoped3A : memref<!tpu.dma_semaphore, #tpu.memory_space<semaphore_mem>>) src(%arg7 : memref<16xf32, #tpu.memory_space<vmem>>) dst(%dma_wait3A_23 : memref<16xf32, #tpu.memory_space<hbm>>)
        tpu.yield
      }) : () -> ()
    } else {
    }
    return
  }
}

module attributes {stable_mosaic.version = 14 : i64} {
  func.func @_tc_body(%arg0: i32, %arg1: memref<1x128xf32, #tpu.memory_space<vmem>>, %arg2: memref<1x1xf32, #tpu.memory_space<vmem>>, %arg3: memref<1x128xf32, #tpu.memory_space<vmem>>, %arg4: memref<8192x128xf32, #tpu.memory_space<vmem>>, %arg5: memref<32768x1x128xf32, #tpu.memory_space<any>>, %arg6: memref<257x384xf32, #tpu.memory_space<vmem>>, %arg7: memref<128x384xf32, #tpu.memory_space<vmem>>, %arg8: memref<1x384xf32, #tpu.memory_space<vmem>>, %arg9: memref<1x384xf32, #tpu.memory_space<vmem>>, %arg10: memref<1x385xf32, #tpu.memory_space<vmem>>, %arg11: memref<1x1xf32, #tpu.memory_space<vmem>>, %arg12: memref<1x1xf32, #tpu.memory_space<vmem>>, %arg13: memref<1x128xf32, #tpu.memory_space<vmem>>, %arg14: memref<8192x128xf32, #tpu.memory_space<vmem>>, %arg15: memref<32769x1x128xf32, #tpu.memory_space<any>>, %arg16: memref<4x8192xf32, #tpu.memory_space<vmem>>, %arg17: memref<1x128xf32, #tpu.memory_space<vmem>>, %arg18: memref<1x128xf32, #tpu.memory_space<vmem>>, %arg19: memref<2xf32, #tpu.memory_space<smem>>, %arg20: memref<4x8192x128xf32, #tpu.memory_space<vmem>>, %arg21: memref<4x!tpu.dma_semaphore, #tpu.memory_space<semaphore_mem>>, %arg22: memref<4x!tpu.dma_semaphore, #tpu.memory_space<semaphore_mem>>, %arg23: memref<!tpu.dma_semaphore, #tpu.memory_space<semaphore_mem>>) attributes {dimension_semantics = [#tpu.dimension_semantics<arbitrary>], iteration_bounds = array<i64: 9>, scalar_prefetch = 0 : i64, scratch_operands = 8 : i64, tpu.core_type = #tpu.core_type<tc>, window_params = [{pipeline_mode = #tpu.pipeline_mode<synchronous>, transform_indices = @transform_0, window_bounds = array<i64: 1, 128>}, {pipeline_mode = #tpu.pipeline_mode<synchronous>, transform_indices = @transform_1, window_bounds = array<i64: 1, 1>}, {pipeline_mode = #tpu.pipeline_mode<synchronous>, transform_indices = @transform_2, window_bounds = array<i64: 1, 128>}, {transform_indices = @transform_3, window_bounds = array<i64: 8192, 128>}, {}, {pipeline_mode = #tpu.pipeline_mode<synchronous>, transform_indices = @transform_5, window_bounds = array<i64: 257, 384>}, {pipeline_mode = #tpu.pipeline_mode<synchronous>, transform_indices = @transform_6, window_bounds = array<i64: 128, 384>}, {pipeline_mode = #tpu.pipeline_mode<synchronous>, transform_indices = @transform_7, window_bounds = array<i64: 1, 384>}, {pipeline_mode = #tpu.pipeline_mode<synchronous>, transform_indices = @transform_8, window_bounds = array<i64: 1, 384>}, {pipeline_mode = #tpu.pipeline_mode<synchronous>, transform_indices = @transform_9, window_bounds = array<i64: 1, 385>}, {pipeline_mode = #tpu.pipeline_mode<synchronous>, transform_indices = @transform_10, window_bounds = array<i64: 1, 1>}, {pipeline_mode = #tpu.pipeline_mode<synchronous>, transform_indices = @transform_11, window_bounds = array<i64: 1, 1>}, {pipeline_mode = #tpu.pipeline_mode<synchronous>, transform_indices = @transform_12, window_bounds = array<i64: 1, 128>}, {transform_indices = @transform_13, window_bounds = array<i64: 8192, 128>}, {}]} {
    %lt3A = arith.constant 4 : i32
    %lt3A_0 = arith.cmpi slt, %arg0, %lt3A : i32
    %convert_element_type3A = arith.extui %lt3A_0 : i1 to i32
    %cond3A = arith.constant 0 : i32
    %cond3A_1 = arith.cmpi ne, %convert_element_type3A, %cond3A : i32
    scf.if %cond3A_1 {
      %mul3A = arith.constant 8192 : i32
      %mul3A_15 = arith.muli %arg0, %mul3A : i32
      %dma_start3A = arith.constant 0 : i32
      %dma_start3A_16 = tpu.memref_slice %arg21[%arg0] : memref<4x!tpu.dma_semaphore, #tpu.memory_space<semaphore_mem>> -> memref<1x!tpu.dma_semaphore, #tpu.memory_space<semaphore_mem>>
      %dma_start3A_17 = tpu.memref_squeeze %dma_start3A_16 : memref<1x!tpu.dma_semaphore, #tpu.memory_space<semaphore_mem>> -> memref<!tpu.dma_semaphore, #tpu.memory_space<semaphore_mem>>
      %dma_start3A_18 = arith.constant 0 : i32
      %dma_start3A_19 = arith.constant 0 : i32
      %dma_start3A_20 = tpu.memref_slice %arg20[%arg0, %dma_start3A_18, %dma_start3A_19] : memref<4x8192x128xf32, #tpu.memory_space<vmem>> -> memref<1x8192x128xf32, #tpu.memory_space<vmem>>
      %dma_start3A_21 = tpu.memref_squeeze %dma_start3A_20 : memref<1x8192x128xf32, #tpu.memory_space<vmem>> -> memref<8192x128xf32, #tpu.memory_space<vmem>>
      %dma_start3A_22 = arith.constant 0 : i32
      %dma_start3A_23 = tpu.memref_slice %arg5[%mul3A_15, %dma_start3A, %dma_start3A_22] : memref<32768x1x128xf32, #tpu.memory_space<any>> -> memref<8192x1x128xf32, #tpu.memory_space<any>>
      %dma_start3A_24 = tpu.memref_squeeze %dma_start3A_23 : memref<8192x1x128xf32, #tpu.memory_space<any>> -> memref<8192x128xf32, #tpu.memory_space<any>>
      tpu.enqueue_dma source(%dma_start3A_24 : memref<8192x128xf32, #tpu.memory_space<any>>) target(%dma_start3A_21 : memref<8192x128xf32, #tpu.memory_space<vmem>>) target_semaphore(%dma_start3A_17 : memref<!tpu.dma_semaphore, #tpu.memory_space<semaphore_mem>>)
      %get3A = arith.constant 0 : index
      %get3A_25 = arith.constant 0 : index
      %get3A_26 = vector.load %arg4[%get3A, %get3A_25] : memref<8192x128xf32, #tpu.memory_space<vmem>>, vector<8192x128xf32>
      %swap3A = arith.constant 0 : index
      %swap3A_27 = arith.constant 0 : index
      %swap3A_28 = vector.load %arg14[%swap3A, %swap3A_27] : memref<8192x128xf32, #tpu.memory_space<vmem>>, vector<8192x128xf32>
      tpu.vector_store %arg14[%swap3A, %swap3A_27], %get3A_26 {strides = array<i32>} : memref<8192x128xf32, #tpu.memory_space<vmem>>, vector<8192x128xf32>,
      %get3A_29 = arith.constant 0 : index
      %get3A_30 = arith.constant 0 : index
      %get3A_31 = vector.load %arg1[%get3A_29, %get3A_30] : memref<1x128xf32, #tpu.memory_space<vmem>>, vector<1x128xf32>
      %dot_general3A = arith.constant dense<0.000000e+00> : vector<1x8192xf32>
      %dot_general3A_32 = tpu.matmul %get3A_31, %get3A_26, %dot_general3A {dimension_numbers = #tpu.dot_dimension_numbers<[1], [1], [0], [0], [0, 0, 1, 0], [], []>, precision = #tpu.contract_precision<fp32>, transpose_lhs_hint = false} : vector<1x128xf32>, vector<8192x128xf32>, vector<1x8192xf32> -> vector<1x8192xf32>
      %swap3A_33 = arith.index_cast %arg0 : i32 to index
      %swap3A_34 = arith.constant 0 : index
      %swap3A_35 = vector.load %arg16[%swap3A_33, %swap3A_34] : memref<4x8192xf32, #tpu.memory_space<vmem>>, vector<1x8192xf32>
      tpu.vector_store %arg16[%swap3A_33, %swap3A_34], %dot_general3A_32 {strides = array<i32>} : memref<4x8192xf32, #tpu.memory_space<vmem>>, vector<1x8192xf32>,
    } else {
    }
    %eq3A = arith.constant 4 : i32
    %eq3A_2 = arith.cmpi eq, %arg0, %eq3A : i32
    %convert_element_type3A_3 = arith.extui %eq3A_2 : i1 to i32
    %cond3A_4 = arith.constant 0 : i32
    %cond3A_5 = arith.cmpi ne, %convert_element_type3A_3, %cond3A_4 : i32
    scf.if %cond3A_5 {
      %get3A = arith.constant 0 : index
      %get3A_15 = arith.constant 0 : index
      %get3A_16 = vector.load %arg1[%get3A, %get3A_15] : memref<1x128xf32, #tpu.memory_space<vmem>>, vector<1x128xf32>
      %swap3A = arith.constant 0 : index
      %swap3A_17 = arith.constant 0 : index
      %swap3A_18 = vector.load %arg14[%swap3A, %swap3A_17] : memref<8192x128xf32, #tpu.memory_space<vmem>>, vector<1x128xf32>
      tpu.vector_store %arg14[%swap3A, %swap3A_17], %get3A_16 {strides = array<i32>} : memref<8192x128xf32, #tpu.memory_space<vmem>>, vector<1x128xf32>,
      %get3A_19 = arith.constant 0 : index
      %get3A_20 = arith.constant 0 : index
      %get3A_21 = vector.load %arg2[%get3A_19, %get3A_20] : memref<1x1xf32, #tpu.memory_space<vmem>>, vector<1x1xf32>
      %get3A_22 = vector.extract %get3A_21[0, 0] : f32 from vector<1x1xf32>
      %ge3A = arith.constant 5.000000e-01 : f32
      %ge3A_23 = arith.cmpf oge, %get3A_22, %ge3A : f32
      %convert_element_type3A_24 = arith.extui %ge3A_23 : i1 to i32
      %convert_element_type3A_25 = arith.sitofp %convert_element_type3A_24 : i32 to f32
      %mul3A = vector.broadcast %convert_element_type3A_25 : f32 to vector<1x128xf32>
      %mul3A_26 = arith.mulf %get3A_16, %mul3A : vector<1x128xf32>
      %sub3A = arith.constant 1.000000e+00 : f32
      %sub3A_27 = arith.subf %sub3A, %convert_element_type3A_25 : f32
      %mul3A_28 = vector.broadcast %sub3A_27 : f32 to vector<1x128xf32>
      %mul3A_29 = arith.mulf %get3A_16, %mul3A_28 : vector<1x128xf32>
      %get3A_30 = arith.constant 0 : index
      %get3A_31 = arith.constant 0 : index
      %get3A_32 = vector.load %arg6[%get3A_30, %get3A_31] : memref<257x384xf32, #tpu.memory_space<vmem>>, vector<128x384xf32>
      %dot_general3A = arith.constant dense<0.000000e+00> : vector<1x384xf32>
      %dot_general3A_33 = tpu.matmul %mul3A_26, %get3A_32, %dot_general3A {dimension_numbers = #tpu.dot_dimension_numbers<[1], [0], [0], [1], [0, 0, 1, 1], [], []>, precision = #tpu.contract_precision<fp32>, transpose_lhs_hint = false} : vector<1x128xf32>, vector<128x384xf32>, vector<1x384xf32> -> vector<1x384xf32>
      %get3A_34 = arith.constant 128 : index
      %get3A_35 = arith.constant 0 : index
      %get3A_36 = vector.load %arg6[%get3A_34, %get3A_35] : memref<257x384xf32, #tpu.memory_space<vmem>>, vector<128x384xf32>
      %dot_general3A_37 = arith.constant dense<0.000000e+00> : vector<1x384xf32>
      %dot_general3A_38 = tpu.matmul %mul3A_29, %get3A_36, %dot_general3A_37 {dimension_numbers = #tpu.dot_dimension_numbers<[1], [0], [0], [1], [0, 0, 1, 1], [], []>, precision = #tpu.contract_precision<fp32>, transpose_lhs_hint = false} : vector<1x128xf32>, vector<128x384xf32>, vector<1x384xf32> -> vector<1x384xf32>
      %add3A = arith.addf %dot_general3A_33, %dot_general3A_38 : vector<1x384xf32>
      %get3A_39 = arith.constant 256 : index
      %get3A_40 = arith.constant 0 : index
      %get3A_41 = vector.load %arg6[%get3A_39, %get3A_40] : memref<257x384xf32, #tpu.memory_space<vmem>>, vector<1x384xf32>
      %mul3A_42 = vector.broadcast %get3A_22 : f32 to vector<1x384xf32>
      %mul3A_43 = arith.mulf %mul3A_42, %get3A_41 : vector<1x384xf32>
      %add3A_44 = arith.addf %add3A, %mul3A_43 : vector<1x384xf32>
      %get3A_45 = arith.constant 0 : index
      %get3A_46 = arith.constant 0 : index
      %get3A_47 = vector.load %arg8[%get3A_45, %get3A_46] : memref<1x384xf32, #tpu.memory_space<vmem>>, vector<1x384xf32>
      %add3A_48 = arith.addf %add3A_44, %get3A_47 : vector<1x384xf32>
      %get3A_49 = arith.constant 0 : index
      %get3A_50 = arith.constant 0 : index
      %get3A_51 = vector.load %arg3[%get3A_49, %get3A_50] : memref<1x128xf32, #tpu.memory_space<vmem>>, vector<1x128xf32>
      %get3A_52 = arith.constant 0 : index
      %get3A_53 = arith.constant 0 : index
      %get3A_54 = vector.load %arg7[%get3A_52, %get3A_53] : memref<128x384xf32, #tpu.memory_space<vmem>>, vector<128x384xf32>
      %dot_general3A_55 = arith.constant dense<0.000000e+00> : vector<1x384xf32>
      %dot_general3A_56 = tpu.matmul %get3A_51, %get3A_54, %dot_general3A_55 {dimension_numbers = #tpu.dot_dimension_numbers<[1], [0], [0], [1], [0, 0, 1, 1], [], []>, precision = #tpu.contract_precision<fp32>, transpose_lhs_hint = false} : vector<1x128xf32>, vector<128x384xf32>, vector<1x384xf32> -> vector<1x384xf32>
      %get3A_57 = arith.constant 0 : index
      %get3A_58 = arith.constant 0 : index
      %get3A_59 = vector.load %arg9[%get3A_57, %get3A_58] : memref<1x384xf32, #tpu.memory_space<vmem>>, vector<1x384xf32>
      %add3A_60 = arith.addf %dot_general3A_56, %get3A_59 : vector<1x384xf32>
      %slice3A = vector.extract_strided_slice %add3A_48 {offsets = [0, 0], sizes = [1, 128], strides = [1, 1]} : vector<1x384xf32> to vector<1x128xf32>
      %slice3A_61 = vector.extract_strided_slice %add3A_60 {offsets = [0, 0], sizes = [1, 128], strides = [1, 1]} : vector<1x384xf32> to vector<1x128xf32>
      %add3A_62 = arith.addf %slice3A, %slice3A_61 : vector<1x128xf32>
      %logistic3A = arith.negf %add3A_62 : vector<1x128xf32>
      %logistic3A_63 = math.exp %logistic3A : vector<1x128xf32>
      %logistic3A_64 = arith.constant 1.000000e+00 : f32
      %logistic3A_65 = vector.broadcast %logistic3A_64 : f32 to vector<1x128xf32>
      %logistic3A_66 = arith.addf %logistic3A_65, %logistic3A_63 : vector<1x128xf32>
      %logistic3A_67 = arith.divf %logistic3A_65, %logistic3A_66 : vector<1x128xf32>
      %slice3A_68 = vector.extract_strided_slice %add3A_48 {offsets = [0, 128], sizes = [1, 128], strides = [1, 1]} : vector<1x384xf32> to vector<1x128xf32>
      %slice3A_69 = vector.extract_strided_slice %add3A_60 {offsets = [0, 128], sizes = [1, 128], strides = [1, 1]} : vector<1x384xf32> to vector<1x128xf32>
      %add3A_70 = arith.addf %slice3A_68, %slice3A_69 : vector<1x128xf32>
      %logistic3A_71 = arith.negf %add3A_70 : vector<1x128xf32>
      %logistic3A_72 = math.exp %logistic3A_71 : vector<1x128xf32>
      %logistic3A_73 = arith.constant 1.000000e+00 : f32
      %logistic3A_74 = vector.broadcast %logistic3A_73 : f32 to vector<1x128xf32>
      %logistic3A_75 = arith.addf %logistic3A_74, %logistic3A_72 : vector<1x128xf32>
      %logistic3A_76 = arith.divf %logistic3A_74, %logistic3A_75 : vector<1x128xf32>
      %slice3A_77 = vector.extract_strided_slice %add3A_48 {offsets = [0, 256], sizes = [1, 128], strides = [1, 1]} : vector<1x384xf32> to vector<1x128xf32>
      %slice3A_78 = vector.extract_strided_slice %add3A_60 {offsets = [0, 256], sizes = [1, 128], strides = [1, 1]} : vector<1x384xf32> to vector<1x128xf32>
      %mul3A_79 = arith.mulf %logistic3A_67, %slice3A_78 : vector<1x128xf32>
      %add3A_80 = arith.addf %slice3A_77, %mul3A_79 : vector<1x128xf32>
      %tanh3A = math.tanh %add3A_80 : vector<1x128xf32>
      %sub3A_81 = arith.constant 1.000000e+00 : f32
      %sub3A_82 = vector.broadcast %sub3A_81 : f32 to vector<1x128xf32>
      %sub3A_83 = arith.subf %sub3A_82, %logistic3A_76 : vector<1x128xf32>
      %mul3A_84 = arith.mulf %sub3A_83, %tanh3A : vector<1x128xf32>
      %mul3A_85 = arith.mulf %logistic3A_76, %get3A_51 : vector<1x128xf32>
      %add3A_86 = arith.addf %mul3A_84, %mul3A_85 : vector<1x128xf32>
      %swap3A_87 = arith.constant 0 : index
      %swap3A_88 = arith.constant 0 : index
      %swap3A_89 = vector.load %arg13[%swap3A_87, %swap3A_88] : memref<1x128xf32, #tpu.memory_space<vmem>>, vector<1x128xf32>
      tpu.vector_store %arg13[%swap3A_87, %swap3A_88], %add3A_86 {strides = array<i32>} : memref<1x128xf32, #tpu.memory_space<vmem>>, vector<1x128xf32>,
      %swap3A_90 = arith.constant 0 : index
      %swap3A_91 = arith.constant 0 : index
      %swap3A_92 = vector.load %arg18[%swap3A_90, %swap3A_91] : memref<1x128xf32, #tpu.memory_space<vmem>>, vector<1x128xf32>
      tpu.vector_store %arg18[%swap3A_90, %swap3A_91], %add3A_86 {strides = array<i32>} : memref<1x128xf32, #tpu.memory_space<vmem>>, vector<1x128xf32>,
      %dma_start3A = arith.constant 0 : i32
      %dma_start3A_93 = arith.constant 32768 : i32
      %dma_start3A_94 = arith.constant 0 : i32
      %dma_start3A_95 = tpu.memref_slice %arg15[%dma_start3A_93, %dma_start3A, %dma_start3A_94] : memref<32769x1x128xf32, #tpu.memory_space<any>> -> memref<1x1x128xf32, #tpu.memory_space<any>>
      %dma_start3A_96 = tpu.memref_squeeze %dma_start3A_95 : memref<1x1x128xf32, #tpu.memory_space<any>> -> memref<1x128xf32, #tpu.memory_space<any>>
      tpu.enqueue_dma source(%arg18 : memref<1x128xf32, #tpu.memory_space<vmem>>) target(%dma_start3A_96 : memref<1x128xf32, #tpu.memory_space<any>>) target_semaphore(%arg23 : memref<!tpu.dma_semaphore, #tpu.memory_space<semaphore_mem>>)
      %get3A_97 = arith.constant 0 : index
      %get3A_98 = arith.constant 0 : index
      %get3A_99 = vector.load %arg16[%get3A_97, %get3A_98] : memref<4x8192xf32, #tpu.memory_space<vmem>>, vector<4x8192xf32>
      %reduce_max3A = vector.shape_cast %get3A_99 : vector<4x8192xf32> to vector<1x4x8192xf32>
      %reduce_max3A_100 = arith.constant dense<0xFF800000> : vector<1xf32>
      %reduce_max3A_101 = vector.multi_reduction <maximumf>, %reduce_max3A, %reduce_max3A_100 [1, 2] : vector<1x4x8192xf32> to vector<1xf32>
      %reduce_max3A_102 = vector.shape_cast %reduce_max3A_101 : vector<1xf32> to vector<1x1x1xf32>
      %reduce_max3A_103 = vector.extract %reduce_max3A_102[0, 0, 0] : f32 from vector<1x1x1xf32>
      %bitcast_convert_type3A = tpu.bitcast %get3A_99 : vector<4x8192xf32> -> vector<4x8192xi32>
      %ge3A_104 = arith.constant 0 : i32
      %ge3A_105 = vector.broadcast %ge3A_104 : i32 to vector<4x8192xi32>
      %ge3A_106 = arith.cmpi sge, %bitcast_convert_type3A, %ge3A_105 : vector<4x8192xi32>
      %xor3A = arith.constant 2147483647 : i32
      %xor3A_107 = vector.broadcast %xor3A : i32 to vector<4x8192xi32>
      %xor3A_108 = arith.xori %bitcast_convert_type3A, %xor3A_107 : vector<4x8192xi32>
      %select_n3A = arith.select %ge3A_106, %bitcast_convert_type3A, %xor3A_108 : vector<4x8192xi1>, vector<4x8192xi32>
      %reduce_min3A = vector.shape_cast %select_n3A : vector<4x8192xi32> to vector<1x4x8192xi32>
      %reduce_min3A_109 = arith.constant dense<2147483647> : vector<1xi32>
      %reduce_min3A_110 = vector.multi_reduction <minsi>, %reduce_min3A, %reduce_min3A_109 [1, 2] : vector<1x4x8192xi32> to vector<1xi32>
      %reduce_min3A_111 = vector.shape_cast %reduce_min3A_110 : vector<1xi32> to vector<1x1x1xi32>
      %reduce_min3A_112 = vector.extract %reduce_min3A_111[0, 0, 0] : i32 from vector<1x1x1xi32>
      %reduce_max3A_113 = vector.shape_cast %select_n3A : vector<4x8192xi32> to vector<1x4x8192xi32>
      %reduce_max3A_114 = arith.constant dense<-2147483648> : vector<1xi32>
      %reduce_max3A_115 = vector.multi_reduction <maxsi>, %reduce_max3A_113, %reduce_max3A_114 [1, 2] : vector<1x4x8192xi32> to vector<1xi32>
      %reduce_max3A_116 = vector.shape_cast %reduce_max3A_115 : vector<1xi32> to vector<1x1x1xi32>
      %reduce_max3A_117 = vector.extract %reduce_max3A_116[0, 0, 0] : i32 from vector<1x1x1xi32>
      %scan3A = arith.constant 0 : i32
      %scan3A_118 = arith.constant 34 : i32
      %scan3A_119 = arith.addi %scan3A, %scan3A_118 : i32
      %scan3A_120 = arith.constant 1 : i32
      %scan3A_121:2 = scf.for %scan3A_141 = %scan3A to %scan3A_119 step %scan3A_120 iter_args(%scan3A_142 = %reduce_min3A_112, %scan3A_143 = %reduce_max3A_117) -> (i32, i32)  : i32 {
        %shift_right_arithmetic3A = arith.constant 1 : i32
        %shift_right_arithmetic3A_144 = arith.shrsi %scan3A_142, %shift_right_arithmetic3A : i32
        %shift_right_arithmetic3A_145 = arith.constant 1 : i32
        %shift_right_arithmetic3A_146 = arith.shrsi %scan3A_143, %shift_right_arithmetic3A_145 : i32
        %add3A_147 = arith.addi %shift_right_arithmetic3A_144, %shift_right_arithmetic3A_146 : i32
        %and3A = arith.andi %scan3A_142, %scan3A_143 : i32
        %and3A_148 = arith.constant 1 : i32
        %and3A_149 = arith.andi %and3A, %and3A_148 : i32
        %add3A_150 = arith.addi %add3A_147, %and3A_149 : i32
        %ge3A_151 = vector.broadcast %add3A_150 : i32 to vector<4x8192xi32>
        %ge3A_152 = arith.cmpi sge, %select_n3A, %ge3A_151 : vector<4x8192xi32>
        %convert_element_type3A_153 = arith.extui %ge3A_152 : vector<4x8192xi1> to vector<4x8192xi32>
        %reduce_sum3A_154 = vector.shape_cast %convert_element_type3A_153 : vector<4x8192xi32> to vector<1x4x8192xi32>
        %reduce_sum3A_155 = arith.constant dense<0> : vector<1xi32>
        %reduce_sum3A_156 = vector.multi_reduction <add>, %reduce_sum3A_154, %reduce_sum3A_155 [1, 2] : vector<1x4x8192xi32> to vector<1xi32>
        %reduce_sum3A_157 = vector.shape_cast %reduce_sum3A_156 : vector<1xi32> to vector<1x1x1xi32>
        %reduce_sum3A_158 = vector.extract %reduce_sum3A_157[0, 0, 0] : i32 from vector<1x1x1xi32>
        %ge3A_159 = arith.constant 64 : i32
        %ge3A_160 = arith.cmpi sge, %reduce_sum3A_158, %ge3A_159 : i32
        %select_n3A_161 = arith.select %ge3A_160, %add3A_150, %scan3A_142 : i32
        %ge3A_162 = arith.constant 64 : i32
        %ge3A_163 = arith.cmpi sge, %reduce_sum3A_158, %ge3A_162 : i32
        %sub3A_164 = arith.constant 1 : i32
        %sub3A_165 = arith.subi %add3A_150, %sub3A_164 : i32
        %select_n3A_166 = arith.select %ge3A_163, %scan3A_143, %sub3A_165 : i32
        scf.yield %select_n3A_161, %select_n3A_166 : i32, i32
      }
      %ge3A_122 = vector.broadcast %scan3A_121#0 : i32 to vector<4x8192xi32>
      %ge3A_123 = arith.cmpi sge, %select_n3A, %ge3A_122 : vector<4x8192xi32>
      %sub3A_124 = vector.broadcast %reduce_max3A_103 : f32 to vector<4x8192xf32>
      %sub3A_125 = arith.subf %get3A_99, %sub3A_124 : vector<4x8192xf32>
      %exp3A = math.exp %sub3A_125 : vector<4x8192xf32>
      %jit3A = arith.constant 0.000000e+00 : f32
      %broadcast_in_dim3A = vector.broadcast %jit3A : f32 to vector<4x8192xf32>
      %select_n3A_126 = arith.select %ge3A_123, %exp3A, %broadcast_in_dim3A : vector<4x8192xi1>, vector<4x8192xf32>
      %swap3A_127 = arith.constant 0 : index
      %swap3A_128 = arith.constant 0 : index
      %swap3A_129 = vector.load %arg16[%swap3A_127, %swap3A_128] : memref<4x8192xf32, #tpu.memory_space<vmem>>, vector<4x8192xf32>
      tpu.vector_store %arg16[%swap3A_127, %swap3A_128], %select_n3A_126 {strides = array<i32>} : memref<4x8192xf32, #tpu.memory_space<vmem>>, vector<4x8192xf32>,
      %reduce_sum3A = vector.shape_cast %select_n3A_126 : vector<4x8192xf32> to vector<1x4x8192xf32>
      %reduce_sum3A_130 = arith.constant dense<0.000000e+00> : vector<1xf32>
      %reduce_sum3A_131 = vector.multi_reduction <add>, %reduce_sum3A, %reduce_sum3A_130 [1, 2] : vector<1x4x8192xf32> to vector<1xf32>
      %reduce_sum3A_132 = vector.shape_cast %reduce_sum3A_131 : vector<1xf32> to vector<1x1x1xf32>
      %reduce_sum3A_133 = vector.extract %reduce_sum3A_132[0, 0, 0] : f32 from vector<1x1x1xf32>
      %swap3A_134 = arith.constant 0 : index
      %swap3A_135 = memref.load %arg19[%swap3A_134] : memref<2xf32, #tpu.memory_space<smem>>
      memref.store %reduce_sum3A_133, %arg19[%swap3A_134] : memref<2xf32, #tpu.memory_space<smem>>
      %broadcast_in_dim3A_136 = arith.constant 0.000000e+00 : f32
      %broadcast_in_dim3A_137 = vector.broadcast %broadcast_in_dim3A_136 : f32 to vector<1x128xf32>
      %swap3A_138 = arith.constant 0 : index
      %swap3A_139 = arith.constant 0 : index
      %swap3A_140 = vector.load %arg17[%swap3A_138, %swap3A_139] : memref<1x128xf32, #tpu.memory_space<vmem>>, vector<1x128xf32>
      tpu.vector_store %arg17[%swap3A_138, %swap3A_139], %broadcast_in_dim3A_137 {strides = array<i32>} : memref<1x128xf32, #tpu.memory_space<vmem>>, vector<1x128xf32>,
    } else {
    }
    %gt3A = arith.constant 4 : i32
    %gt3A_6 = arith.cmpi sgt, %arg0, %gt3A : i32
    %convert_element_type3A_7 = arith.extui %gt3A_6 : i1 to i32
    %cond3A_8 = arith.constant 0 : i32
    %cond3A_9 = arith.cmpi ne, %convert_element_type3A_7, %cond3A_8 : i32
    scf.if %cond3A_9 {
      %sub3A = arith.constant 5 : i32
      %sub3A_15 = arith.subi %arg0, %sub3A : i32
      %mul3A = arith.constant 8192 : i32
      %mul3A_16 = arith.muli %sub3A_15, %mul3A : i32
      %dma_wait3A = arith.constant 0 : i32
      %dma_wait3A_17 = tpu.memref_slice %arg21[%sub3A_15] : memref<4x!tpu.dma_semaphore, #tpu.memory_space<semaphore_mem>> -> memref<1x!tpu.dma_semaphore, #tpu.memory_space<semaphore_mem>>
      %dma_wait3A_18 = tpu.memref_squeeze %dma_wait3A_17 : memref<1x!tpu.dma_semaphore, #tpu.memory_space<semaphore_mem>> -> memref<!tpu.dma_semaphore, #tpu.memory_space<semaphore_mem>>
      %dma_wait3A_19 = arith.constant 0 : i32
      %dma_wait3A_20 = arith.constant 0 : i32
      %dma_wait3A_21 = tpu.memref_slice %arg20[%sub3A_15, %dma_wait3A_19, %dma_wait3A_20] : memref<4x8192x128xf32, #tpu.memory_space<vmem>> -> memref<1x8192x128xf32, #tpu.memory_space<vmem>>
      %dma_wait3A_22 = tpu.memref_squeeze %dma_wait3A_21 : memref<1x8192x128xf32, #tpu.memory_space<vmem>> -> memref<8192x128xf32, #tpu.memory_space<vmem>>
      %dma_wait3A_23 = arith.constant 0 : i32
      %dma_wait3A_24 = tpu.memref_slice %arg5[%mul3A_16, %dma_wait3A, %dma_wait3A_23] : memref<32768x1x128xf32, #tpu.memory_space<any>> -> memref<8192x1x128xf32, #tpu.memory_space<any>>
      %dma_wait3A_25 = tpu.memref_squeeze %dma_wait3A_24 : memref<8192x1x128xf32, #tpu.memory_space<any>> -> memref<8192x128xf32, #tpu.memory_space<any>>
      tpu.wait_dma2 semaphore(%dma_wait3A_18 : memref<!tpu.dma_semaphore, #tpu.memory_space<semaphore_mem>>) src(%dma_wait3A_25 : memref<8192x128xf32, #tpu.memory_space<any>>) dst(%dma_wait3A_22 : memref<8192x128xf32, #tpu.memory_space<vmem>>)
      %get3A = arith.index_cast %sub3A_15 : i32 to index
      %get3A_26 = arith.constant 0 : index
      %get3A_27 = arith.constant 0 : index
      %get3A_28 = vector.load %arg20[%get3A, %get3A_26, %get3A_27] : memref<4x8192x128xf32, #tpu.memory_space<vmem>>, vector<1x8192x128xf32>
      %get3A_29 = vector.shape_cast %get3A_28 : vector<1x8192x128xf32> to vector<8192x128xf32>
      %get3A_30 = arith.index_cast %sub3A_15 : i32 to index
      %get3A_31 = arith.constant 0 : index
      %get3A_32 = vector.load %arg16[%get3A_30, %get3A_31] : memref<4x8192xf32, #tpu.memory_space<vmem>>, vector<1x8192xf32>
      %get3A_33 = arith.constant 0 : index
      %get3A_34 = arith.constant 0 : index
      %get3A_35 = vector.load %arg17[%get3A_33, %get3A_34] : memref<1x128xf32, #tpu.memory_space<vmem>>, vector<1x128xf32>
      %dot_general3A = arith.constant dense<0.000000e+00> : vector<1x128xf32>
      %dot_general3A_36 = tpu.matmul %get3A_32, %get3A_29, %dot_general3A {dimension_numbers = #tpu.dot_dimension_numbers<[1], [0], [0], [1], [0, 0, 1, 1], [], []>, precision = #tpu.contract_precision<fp32>, transpose_lhs_hint = false} : vector<1x8192xf32>, vector<8192x128xf32>, vector<1x128xf32> -> vector<1x128xf32>
      %add3A = arith.addf %get3A_35, %dot_general3A_36 : vector<1x128xf32>
      %swap3A = arith.constant 0 : index
      %swap3A_37 = arith.constant 0 : index
      %swap3A_38 = vector.load %arg17[%swap3A, %swap3A_37] : memref<1x128xf32, #tpu.memory_space<vmem>>, vector<1x128xf32>
      tpu.vector_store %arg17[%swap3A, %swap3A_37], %add3A {strides = array<i32>} : memref<1x128xf32, #tpu.memory_space<vmem>>, vector<1x128xf32>,
      %mul3A_39 = arith.constant 8192 : i32
      %mul3A_40 = arith.muli %sub3A_15, %mul3A_39 : i32
      %dma_start3A = arith.constant 0 : i32
      %dma_start3A_41 = tpu.memref_slice %arg22[%sub3A_15] : memref<4x!tpu.dma_semaphore, #tpu.memory_space<semaphore_mem>> -> memref<1x!tpu.dma_semaphore, #tpu.memory_space<semaphore_mem>>
      %dma_start3A_42 = tpu.memref_squeeze %dma_start3A_41 : memref<1x!tpu.dma_semaphore, #tpu.memory_space<semaphore_mem>> -> memref<!tpu.dma_semaphore, #tpu.memory_space<semaphore_mem>>
      %dma_start3A_43 = arith.constant 0 : i32
      %dma_start3A_44 = tpu.memref_slice %arg15[%mul3A_40, %dma_start3A, %dma_start3A_43] : memref<32769x1x128xf32, #tpu.memory_space<any>> -> memref<8192x1x128xf32, #tpu.memory_space<any>>
      %dma_start3A_45 = tpu.memref_squeeze %dma_start3A_44 : memref<8192x1x128xf32, #tpu.memory_space<any>> -> memref<8192x128xf32, #tpu.memory_space<any>>
      %dma_start3A_46 = arith.constant 0 : i32
      %dma_start3A_47 = arith.constant 0 : i32
      %dma_start3A_48 = tpu.memref_slice %arg20[%sub3A_15, %dma_start3A_46, %dma_start3A_47] : memref<4x8192x128xf32, #tpu.memory_space<vmem>> -> memref<1x8192x128xf32, #tpu.memory_space<vmem>>
      %dma_start3A_49 = tpu.memref_squeeze %dma_start3A_48 : memref<1x8192x128xf32, #tpu.memory_space<vmem>> -> memref<8192x128xf32, #tpu.memory_space<vmem>>
      tpu.enqueue_dma source(%dma_start3A_49 : memref<8192x128xf32, #tpu.memory_space<vmem>>) target(%dma_start3A_45 : memref<8192x128xf32, #tpu.memory_space<any>>) target_semaphore(%dma_start3A_42 : memref<!tpu.dma_semaphore, #tpu.memory_space<semaphore_mem>>)
    } else {
    }
    %eq3A_10 = arith.constant 8 : i32
    %eq3A_11 = arith.cmpi eq, %arg0, %eq3A_10 : i32
    %convert_element_type3A_12 = arith.extui %eq3A_11 : i1 to i32
    %cond3A_13 = arith.constant 0 : i32
    %cond3A_14 = arith.cmpi ne, %convert_element_type3A_12, %cond3A_13 : i32
    scf.if %cond3A_14 {
      %get3A = arith.constant 0 : index
      %get3A_15 = arith.constant 0 : index
      %get3A_16 = vector.load %arg17[%get3A, %get3A_15] : memref<1x128xf32, #tpu.memory_space<vmem>>, vector<1x128xf32>
      %get3A_17 = arith.constant 0 : index
      %get3A_18 = memref.load %arg19[%get3A_17] : memref<2xf32, #tpu.memory_space<smem>>
      %div3A = vector.broadcast %get3A_18 : f32 to vector<1x128xf32>
      %div3A_19 = arith.divf %get3A_16, %div3A : vector<1x128xf32>
      %get3A_20 = arith.constant 0 : index
      %get3A_21 = arith.constant 0 : index
      %get3A_22 = vector.load %arg1[%get3A_20, %get3A_21] : memref<1x128xf32, #tpu.memory_space<vmem>>, vector<1x128xf32>
      %get3A_23 = arith.constant 0 : index
      %get3A_24 = arith.constant 0 : index
      %get3A_25 = vector.load %arg10[%get3A_23, %get3A_24] : memref<1x385xf32, #tpu.memory_space<vmem>>, vector<1x128xf32>
      %mul3A = arith.mulf %get3A_22, %get3A_25 : vector<1x128xf32>
      %reduce_sum3A = vector.shape_cast %mul3A : vector<1x128xf32> to vector<1x1x128xf32>
      %reduce_sum3A_26 = arith.constant dense<0.000000e+00> : vector<1xf32>
      %reduce_sum3A_27 = vector.multi_reduction <add>, %reduce_sum3A, %reduce_sum3A_26 [1, 2] : vector<1x1x128xf32> to vector<1xf32>
      %reduce_sum3A_28 = vector.shape_cast %reduce_sum3A_27 : vector<1xf32> to vector<1x1x1xf32>
      %reduce_sum3A_29 = vector.extract %reduce_sum3A_28[0, 0, 0] : f32 from vector<1x1x1xf32>
      %get3A_30 = arith.constant 0 : index
      %get3A_31 = arith.constant 128 : index
      %get3A_32 = vector.load %arg10[%get3A_30, %get3A_31] : memref<1x385xf32, #tpu.memory_space<vmem>>, vector<1x128xf32>
      %mul3A_33 = arith.mulf %div3A_19, %get3A_32 : vector<1x128xf32>
      %reduce_sum3A_34 = vector.shape_cast %mul3A_33 : vector<1x128xf32> to vector<1x1x128xf32>
      %reduce_sum3A_35 = arith.constant dense<0.000000e+00> : vector<1xf32>
      %reduce_sum3A_36 = vector.multi_reduction <add>, %reduce_sum3A_34, %reduce_sum3A_35 [1, 2] : vector<1x1x128xf32> to vector<1xf32>
      %reduce_sum3A_37 = vector.shape_cast %reduce_sum3A_36 : vector<1xf32> to vector<1x1x1xf32>
      %reduce_sum3A_38 = vector.extract %reduce_sum3A_37[0, 0, 0] : f32 from vector<1x1x1xf32>
      %add3A = arith.addf %reduce_sum3A_29, %reduce_sum3A_38 : f32
      %get3A_39 = arith.constant 0 : index
      %get3A_40 = arith.constant 0 : index
      %get3A_41 = vector.load %arg3[%get3A_39, %get3A_40] : memref<1x128xf32, #tpu.memory_space<vmem>>, vector<1x128xf32>
      %get3A_42 = arith.constant 0 : index
      %get3A_43 = arith.constant 256 : index
      %get3A_44 = vector.load %arg10[%get3A_42, %get3A_43] : memref<1x385xf32, #tpu.memory_space<vmem>>, vector<1x128xf32>
      %mul3A_45 = arith.mulf %get3A_41, %get3A_44 : vector<1x128xf32>
      %reduce_sum3A_46 = vector.shape_cast %mul3A_45 : vector<1x128xf32> to vector<1x1x128xf32>
      %reduce_sum3A_47 = arith.constant dense<0.000000e+00> : vector<1xf32>
      %reduce_sum3A_48 = vector.multi_reduction <add>, %reduce_sum3A_46, %reduce_sum3A_47 [1, 2] : vector<1x1x128xf32> to vector<1xf32>
      %reduce_sum3A_49 = vector.shape_cast %reduce_sum3A_48 : vector<1xf32> to vector<1x1x1xf32>
      %reduce_sum3A_50 = vector.extract %reduce_sum3A_49[0, 0, 0] : f32 from vector<1x1x1xf32>
      %add3A_51 = arith.addf %add3A, %reduce_sum3A_50 : f32
      %get3A_52 = arith.constant 0 : index
      %get3A_53 = arith.constant 384 : index
      %get3A_54 = vector.load %arg10[%get3A_52, %get3A_53] : memref<1x385xf32, #tpu.memory_space<vmem>>, vector<1x1xf32>
      %get3A_55 = vector.extract %get3A_54[0, 0] : f32 from vector<1x1xf32>
      %mul3A_56 = arith.constant 6.400000e+01 : f32
      %mul3A_57 = arith.mulf %get3A_55, %mul3A_56 : f32
      %add3A_58 = arith.addf %add3A_51, %mul3A_57 : f32
      %get3A_59 = arith.constant 0 : index
      %get3A_60 = arith.constant 0 : index
      %get3A_61 = vector.load %arg11[%get3A_59, %get3A_60] : memref<1x1xf32, #tpu.memory_space<vmem>>, vector<1x1xf32>
      %get3A_62 = vector.extract %get3A_61[0, 0] : f32 from vector<1x1xf32>
      %add3A_63 = arith.addf %add3A_58, %get3A_62 : f32
      %reshape3A = vector.broadcast %add3A_63 : f32 to vector<1x1xf32>
      %swap3A = arith.constant 0 : index
      %swap3A_64 = arith.constant 0 : index
      %swap3A_65 = vector.load %arg12[%swap3A, %swap3A_64] : memref<1x1xf32, #tpu.memory_space<vmem>>, vector<1x1xf32>
      tpu.vector_store %arg12[%swap3A, %swap3A_64], %reshape3A {strides = array<i32>} : memref<1x1xf32, #tpu.memory_space<vmem>>, vector<1x1xf32>,
      %dma_wait3A = arith.constant 0 : i32
      %dma_wait3A_66 = arith.constant 0 : i32
      %dma_wait3A_67 = arith.constant 0 : i32
      %dma_wait3A_68 = tpu.memref_slice %arg22[%dma_wait3A_67] : memref<4x!tpu.dma_semaphore, #tpu.memory_space<semaphore_mem>> -> memref<1x!tpu.dma_semaphore, #tpu.memory_space<semaphore_mem>>
      %dma_wait3A_69 = tpu.memref_squeeze %dma_wait3A_68 : memref<1x!tpu.dma_semaphore, #tpu.memory_space<semaphore_mem>> -> memref<!tpu.dma_semaphore, #tpu.memory_space<semaphore_mem>>
      %dma_wait3A_70 = arith.constant 0 : i32
      %dma_wait3A_71 = arith.constant 0 : i32
      %dma_wait3A_72 = tpu.memref_slice %arg15[%dma_wait3A_70, %dma_wait3A_66, %dma_wait3A_71] : memref<32769x1x128xf32, #tpu.memory_space<any>> -> memref<8192x1x128xf32, #tpu.memory_space<any>>
      %dma_wait3A_73 = tpu.memref_squeeze %dma_wait3A_72 : memref<8192x1x128xf32, #tpu.memory_space<any>> -> memref<8192x128xf32, #tpu.memory_space<any>>
      %dma_wait3A_74 = arith.constant 0 : i32
      %dma_wait3A_75 = arith.constant 0 : i32
      %dma_wait3A_76 = tpu.memref_slice %arg20[%dma_wait3A, %dma_wait3A_74, %dma_wait3A_75] : memref<4x8192x128xf32, #tpu.memory_space<vmem>> -> memref<1x8192x128xf32, #tpu.memory_space<vmem>>
      %dma_wait3A_77 = tpu.memref_squeeze %dma_wait3A_76 : memref<1x8192x128xf32, #tpu.memory_space<vmem>> -> memref<8192x128xf32, #tpu.memory_space<vmem>>
      tpu.wait_dma2 semaphore(%dma_wait3A_69 : memref<!tpu.dma_semaphore, #tpu.memory_space<semaphore_mem>>) src(%dma_wait3A_77 : memref<8192x128xf32, #tpu.memory_space<vmem>>) dst(%dma_wait3A_73 : memref<8192x128xf32, #tpu.memory_space<any>>)
      %dma_wait3A_78 = arith.constant 1 : i32
      %dma_wait3A_79 = arith.constant 0 : i32
      %dma_wait3A_80 = arith.constant 1 : i32
      %dma_wait3A_81 = tpu.memref_slice %arg22[%dma_wait3A_80] : memref<4x!tpu.dma_semaphore, #tpu.memory_space<semaphore_mem>> -> memref<1x!tpu.dma_semaphore, #tpu.memory_space<semaphore_mem>>
      %dma_wait3A_82 = tpu.memref_squeeze %dma_wait3A_81 : memref<1x!tpu.dma_semaphore, #tpu.memory_space<semaphore_mem>> -> memref<!tpu.dma_semaphore, #tpu.memory_space<semaphore_mem>>
      %dma_wait3A_83 = arith.constant 8192 : i32
      %dma_wait3A_84 = arith.constant 0 : i32
      %dma_wait3A_85 = tpu.memref_slice %arg15[%dma_wait3A_83, %dma_wait3A_79, %dma_wait3A_84] : memref<32769x1x128xf32, #tpu.memory_space<any>> -> memref<8192x1x128xf32, #tpu.memory_space<any>>
      %dma_wait3A_86 = tpu.memref_squeeze %dma_wait3A_85 : memref<8192x1x128xf32, #tpu.memory_space<any>> -> memref<8192x128xf32, #tpu.memory_space<any>>
      %dma_wait3A_87 = arith.constant 0 : i32
      %dma_wait3A_88 = arith.constant 0 : i32
      %dma_wait3A_89 = tpu.memref_slice %arg20[%dma_wait3A_78, %dma_wait3A_87, %dma_wait3A_88] : memref<4x8192x128xf32, #tpu.memory_space<vmem>> -> memref<1x8192x128xf32, #tpu.memory_space<vmem>>
      %dma_wait3A_90 = tpu.memref_squeeze %dma_wait3A_89 : memref<1x8192x128xf32, #tpu.memory_space<vmem>> -> memref<8192x128xf32, #tpu.memory_space<vmem>>
      tpu.wait_dma2 semaphore(%dma_wait3A_82 : memref<!tpu.dma_semaphore, #tpu.memory_space<semaphore_mem>>) src(%dma_wait3A_90 : memref<8192x128xf32, #tpu.memory_space<vmem>>) dst(%dma_wait3A_86 : memref<8192x128xf32, #tpu.memory_space<any>>)
      %dma_wait3A_91 = arith.constant 2 : i32
      %dma_wait3A_92 = arith.constant 0 : i32
      %dma_wait3A_93 = arith.constant 2 : i32
      %dma_wait3A_94 = tpu.memref_slice %arg22[%dma_wait3A_93] : memref<4x!tpu.dma_semaphore, #tpu.memory_space<semaphore_mem>> -> memref<1x!tpu.dma_semaphore, #tpu.memory_space<semaphore_mem>>
      %dma_wait3A_95 = tpu.memref_squeeze %dma_wait3A_94 : memref<1x!tpu.dma_semaphore, #tpu.memory_space<semaphore_mem>> -> memref<!tpu.dma_semaphore, #tpu.memory_space<semaphore_mem>>
      %dma_wait3A_96 = arith.constant 16384 : i32
      %dma_wait3A_97 = arith.constant 0 : i32
      %dma_wait3A_98 = tpu.memref_slice %arg15[%dma_wait3A_96, %dma_wait3A_92, %dma_wait3A_97] : memref<32769x1x128xf32, #tpu.memory_space<any>> -> memref<8192x1x128xf32, #tpu.memory_space<any>>
      %dma_wait3A_99 = tpu.memref_squeeze %dma_wait3A_98 : memref<8192x1x128xf32, #tpu.memory_space<any>> -> memref<8192x128xf32, #tpu.memory_space<any>>
      %dma_wait3A_100 = arith.constant 0 : i32
      %dma_wait3A_101 = arith.constant 0 : i32
      %dma_wait3A_102 = tpu.memref_slice %arg20[%dma_wait3A_91, %dma_wait3A_100, %dma_wait3A_101] : memref<4x8192x128xf32, #tpu.memory_space<vmem>> -> memref<1x8192x128xf32, #tpu.memory_space<vmem>>
      %dma_wait3A_103 = tpu.memref_squeeze %dma_wait3A_102 : memref<1x8192x128xf32, #tpu.memory_space<vmem>> -> memref<8192x128xf32, #tpu.memory_space<vmem>>
      tpu.wait_dma2 semaphore(%dma_wait3A_95 : memref<!tpu.dma_semaphore, #tpu.memory_space<semaphore_mem>>) src(%dma_wait3A_103 : memref<8192x128xf32, #tpu.memory_space<vmem>>) dst(%dma_wait3A_99 : memref<8192x128xf32, #tpu.memory_space<any>>)
      %dma_wait3A_104 = arith.constant 3 : i32
      %dma_wait3A_105 = arith.constant 0 : i32
      %dma_wait3A_106 = arith.constant 3 : i32
      %dma_wait3A_107 = tpu.memref_slice %arg22[%dma_wait3A_106] : memref<4x!tpu.dma_semaphore, #tpu.memory_space<semaphore_mem>> -> memref<1x!tpu.dma_semaphore, #tpu.memory_space<semaphore_mem>>
      %dma_wait3A_108 = tpu.memref_squeeze %dma_wait3A_107 : memref<1x!tpu.dma_semaphore, #tpu.memory_space<semaphore_mem>> -> memref<!tpu.dma_semaphore, #tpu.memory_space<semaphore_mem>>
      %dma_wait3A_109 = arith.constant 24576 : i32
      %dma_wait3A_110 = arith.constant 0 : i32
      %dma_wait3A_111 = tpu.memref_slice %arg15[%dma_wait3A_109, %dma_wait3A_105, %dma_wait3A_110] : memref<32769x1x128xf32, #tpu.memory_space<any>> -> memref<8192x1x128xf32, #tpu.memory_space<any>>
      %dma_wait3A_112 = tpu.memref_squeeze %dma_wait3A_111 : memref<8192x1x128xf32, #tpu.memory_space<any>> -> memref<8192x128xf32, #tpu.memory_space<any>>
      %dma_wait3A_113 = arith.constant 0 : i32
      %dma_wait3A_114 = arith.constant 0 : i32
      %dma_wait3A_115 = tpu.memref_slice %arg20[%dma_wait3A_104, %dma_wait3A_113, %dma_wait3A_114] : memref<4x8192x128xf32, #tpu.memory_space<vmem>> -> memref<1x8192x128xf32, #tpu.memory_space<vmem>>
      %dma_wait3A_116 = tpu.memref_squeeze %dma_wait3A_115 : memref<1x8192x128xf32, #tpu.memory_space<vmem>> -> memref<8192x128xf32, #tpu.memory_space<vmem>>
      tpu.wait_dma2 semaphore(%dma_wait3A_108 : memref<!tpu.dma_semaphore, #tpu.memory_space<semaphore_mem>>) src(%dma_wait3A_116 : memref<8192x128xf32, #tpu.memory_space<vmem>>) dst(%dma_wait3A_112 : memref<8192x128xf32, #tpu.memory_space<any>>)
      %dma_wait3A_117 = arith.constant 0 : i32
      %dma_wait3A_118 = arith.constant 32768 : i32
      %dma_wait3A_119 = arith.constant 0 : i32
      %dma_wait3A_120 = tpu.memref_slice %arg15[%dma_wait3A_118, %dma_wait3A_117, %dma_wait3A_119] : memref<32769x1x128xf32, #tpu.memory_space<any>> -> memref<1x1x128xf32, #tpu.memory_space<any>>
      %dma_wait3A_121 = tpu.memref_squeeze %dma_wait3A_120 : memref<1x1x128xf32, #tpu.memory_space<any>> -> memref<1x128xf32, #tpu.memory_space<any>>
      tpu.wait_dma2 semaphore(%arg23 : memref<!tpu.dma_semaphore, #tpu.memory_space<semaphore_mem>>) src(%arg18 : memref<1x128xf32, #tpu.memory_space<vmem>>) dst(%dma_wait3A_121 : memref<1x128xf32, #tpu.memory_space<any>>)
    } else {
    }
    return
  }
  func.func @transform_0(%arg0: i32) -> (i32, i32) {
    %c0_i32 = arith.constant 0 : i32
    %c0_i32_0 = arith.constant 0 : i32
    %c0_i32_1 = arith.constant 0 : i32
    return %c0_i32, %c0_i32_0 : i32, i32
  }
  func.func @transform_1(%arg0: i32) -> (i32, i32) {
    %c0_i32 = arith.constant 0 : i32
    %c0_i32_0 = arith.constant 0 : i32
    %c0_i32_1 = arith.constant 0 : i32
    return %c0_i32, %c0_i32_0 : i32, i32
  }
  func.func @transform_2(%arg0: i32) -> (i32, i32) {
    %c0_i32 = arith.constant 0 : i32
    %c0_i32_0 = arith.constant 0 : i32
    %c0_i32_1 = arith.constant 0 : i32
    return %c0_i32, %c0_i32_0 : i32, i32
  }
  func.func @transform_3(%arg0: i32) -> (i32, i32) {
    %min3A = arith.constant 3 : i32
    %min3A_0 = arith.minsi %arg0, %min3A : i32
    %c0_i32 = arith.constant 0 : i32
    %c0_i32_1 = arith.constant 0 : i32
    return %min3A_0, %c0_i32 : i32, i32
  }
  func.func @transform_5(%arg0: i32) -> (i32, i32) {
    %c0_i32 = arith.constant 0 : i32
    %c0_i32_0 = arith.constant 0 : i32
    %c0_i32_1 = arith.constant 0 : i32
    return %c0_i32, %c0_i32_0 : i32, i32
  }
  func.func @transform_6(%arg0: i32) -> (i32, i32) {
    %c0_i32 = arith.constant 0 : i32
    %c0_i32_0 = arith.constant 0 : i32
    %c0_i32_1 = arith.constant 0 : i32
    return %c0_i32, %c0_i32_0 : i32, i32
  }
  func.func @transform_7(%arg0: i32) -> (i32, i32) {
    %c0_i32 = arith.constant 0 : i32
    %c0_i32_0 = arith.constant 0 : i32
    %c0_i32_1 = arith.constant 0 : i32
    return %c0_i32, %c0_i32_0 : i32, i32
  }
  func.func @transform_8(%arg0: i32) -> (i32, i32) {
    %c0_i32 = arith.constant 0 : i32
    %c0_i32_0 = arith.constant 0 : i32
    %c0_i32_1 = arith.constant 0 : i32
    return %c0_i32, %c0_i32_0 : i32, i32
  }
  func.func @transform_9(%arg0: i32) -> (i32, i32) {
    %c0_i32 = arith.constant 0 : i32
    %c0_i32_0 = arith.constant 0 : i32
    %c0_i32_1 = arith.constant 0 : i32
    return %c0_i32, %c0_i32_0 : i32, i32
  }
  func.func @transform_10(%arg0: i32) -> (i32, i32) {
    %c0_i32 = arith.constant 0 : i32
    %c0_i32_0 = arith.constant 0 : i32
    %c0_i32_1 = arith.constant 0 : i32
    return %c0_i32, %c0_i32_0 : i32, i32
  }
  func.func @transform_11(%arg0: i32) -> (i32, i32) {
    %c0_i32 = arith.constant 0 : i32
    %c0_i32_0 = arith.constant 0 : i32
    %c0_i32_1 = arith.constant 0 : i32
    return %c0_i32, %c0_i32_0 : i32, i32
  }
  func.func @transform_12(%arg0: i32) -> (i32, i32) {
    %c0_i32 = arith.constant 0 : i32
    %c0_i32_0 = arith.constant 0 : i32
    %c0_i32_1 = arith.constant 0 : i32
    return %c0_i32, %c0_i32_0 : i32, i32
  }
  func.func @transform_13(%arg0: i32) -> (i32, i32) {
    %min3A = arith.constant 4 : i32
    %min3A_0 = arith.minsi %arg0, %min3A : i32
    %c0_i32 = arith.constant 0 : i32
    %c0_i32_1 = arith.constant 0 : i32
    return %min3A_0, %c0_i32 : i32, i32
  }
}

</mosaic_0001>

<sc_bundles>
// kernel: kernel.4.cloned.1.call-start
scs
__scs_entry_jumppad:
0x0: {  	(pc) =	sbr.rel $0x88, $3  }
0x1: {  	(tag) =	ssettag $0x0;
	lr =	simm.s32 $0x1  }
0x2: {  	[smem:$0x3F95] =	sst lr;
	_ =	strace $0xD0000000  }
0x3: {  	_ = 	snop  }
0x4: {  	_ = 	snop  }
0x5: {  	_ = 	snop  }
0x6: {  	_ = 	snop  }
0x7: {  	_ = 	snop  }
__scs_overlays_trampoline_lowered:
0x8: {  	[smem:$0x3FA4] =	sst s0  }
0x9: {  	[smem:$0x3FA5] =	sst s1  }
0xa: {  	[smem:$0x3FA6] =	sst s2  }
0xb: {  	[smem:$0x3FA7] =	sst s3  }
0xc: {  	[smem:$0x3FA8] =	sst s4  }
0xd: {  	[smem:$0x3FA9] =	sst s5  }
0xe: {  	[smem:$0x3FAA] =	sst s6  }
0xf: {  	[smem:$0x3FAB] =	sst s7  }
0x10: {  	[smem:$0x3FAC] =	sst s8  }
0x11: {  	[smem:$0x3FAD] =	sst s9;
	s0 =	simm.s32 @!p0 $0x0  }
0x12: {  	s1 =	sld [smem:$0x3F93];
	s0 =	simm.s32 @p0 $0x1  }
0x13: {  	[smem:$0x3FAE] =	sst s0;
	s0 =	simm.s32 @!p1 $0x0  }
0x14: {  	s2 =	sld [smem:$0x3F92];
	s0 =	simm.s32 @p1 $0x1  }
0x15: {  	[smem:$0x3FAF] =	sst s0;
	s0 =	simm.s32 @!p2 $0x0  }
0x16: {  	s3 =	sld [smem:$0x3FDB];
	s0 =	simm.s32 @p2 $0x1  }
0x17: {  	s4 =	simm.s32 $0x1BF5;
	[smem:$0x3FB1] =	sst s0  }
0x18: {  	s0 =	sld [smem:$0x3F94];
	_ =	swait.ge [sflag:s4], $0x0  }
0x19: {  	s7 =	sld [smem:$0x3F95]  }
0x1a: {  	s8 =	sadd.s32 $0xFFFFE003, lr  }
0x1b: {  	s9 =	sadd.s32 $0xFFFFFEF7, lr;
	s5 =	simm.s32 $0xFFFFFFFF;
	p2 =	slt.u32 s8, $0xFFFFF086  }
0x1c: {  	p1 =	slt.u32 s9, $0xF7A;
	s5 =	simm.s32 @!p2 $0x0  }
0x1d: {  	s5 =	simm.s32 @p1 $0x1;
	p0 =	seq.s32 s7, s2  }
0x1e: {  	s7 =	smul.u32 @!p0 $0xF7A, s2;
	p2 =	seq.s32 @!p0 s5, $0x0  }
0x1f: {  	s9 =	smul.u32 $0xF7A, s1;
	s8 =	simm.s32 @!p0 $0x1BF5;
	p2 =	por !p2, p0  }
0x20: {  	[sflag:s8] =	ssyncset.s32 @!p0 $0xFFFFF086;
	s6 =	sadd.s32 @!p0 s3, s7;
	s7 =	simm.s32 @!p0 $0x108  }
0x21: {  	s3 =	sadd.s32 s3, s9;
	s6 =	sadd.s32 @!p0 $0x88, s6;
	s7 =	simm.s32 @p2 $0x1082  }
0x22: {  	[simem:s7], [sflag:s8] =	dma.local @!p0 [hbm:s6], $0xF7A  }
0x23: {  	s9 =	sor.u32 $0xD0000000, s2;
	s6 =	simm.s32 $0x108;
	_ =	swait.ge @!p0 [sflag:s8], $0x0  }
0x24: {  	s3 =	sadd.s32 $0x88, s3;
	s6 =	simm.s32 @!p1 $0x1082;
	[sflag:s4] =	ssyncset.s32 $0xFFFFF086  }
0x25: {  	[simem:s6], [sflag:s4] =	dma.local [hbm:s3], $0xF7A  }
0x26: {  	[smem:$0x3F95] =	sst s1;
	(tag) =	ssettag s2;
	_ =	strace s9  }
0x27: {  	s1 =	sld [smem:$0x3FA5]  }
0x28: {  	s2 =	sld [smem:$0x3FA6]  }
0x29: {  	s4 =	sld [smem:$0x3FA8]  }
0x2a: {  	p0 =	seq.s32 s5, $0x0;
	s5 =	sld [smem:$0x3FA9]  }
0x2b: {  	s6 =	sld [smem:$0x3FAA]  }
0x2c: {  	s7 =	sld [smem:$0x3FAB]  }
0x2d: {  	s3 =	simm.s32 $0x108;
	s8 =	sld [smem:$0x3FAC]  }
0x2e: {  	s3 =	simm.s32 @!p0 $0x1082;
	s9 =	sld [smem:$0x3FAD]  }
0x2f: {  	lr =	sadd.s32 s0, s3;
	s0 =	sld [smem:$0x3FA4]  }
0x30: {  	s3 =	sld [smem:$0x3FA7]  }
0x31: {  	[smem:$0x3FB0] =	sst s10  }
0x32: {  	s10 =	sld [smem:$0x3FAE];
	_ =	sdelay $0x3  }
0x33: {  	p0 =	seq.s32 s10, $0x1;
	s10 =	sld [smem:$0x3FB0];
	_ =	sdelay $0x3  }
0x34: {  	[smem:$0x3FB0] =	sst s10  }
0x35: {  	s10 =	sld [smem:$0x3FAF];
	_ =	sdelay $0x3  }
0x36: {  	p1 =	seq.s32 s10, $0x1;
	s10 =	sld [smem:$0x3FB0];
	_ =	sdelay $0x3  }
0x37: {  	[smem:$0x3FB0] =	sst s10  }
0x38: {  	s10 =	sld [smem:$0x3FB1]  }
0x39: {  	_ = 	snop;
	(pc) =	sbr.ind lr, $3  }
0x3a: {  	_ = 	snop  }
0x3b: {  	_ = 	snop  }
0x3c: {  	p2 =	seq.s32 s10, $0x1;
	s10 =	sld [smem:$0x3FB0]  }
0x3d: {  	_ =	shalt  }
0x3e: {  	_ =	shalt  }
0x3f: {  	_ =	shalt  }
0x40: {  	_ =	shalt  }
0x41: {  	_ =	shalt  }
0x42: {  	_ =	shalt  }
0x43: {  	_ =	shalt  }
0x44: {  	_ =	shalt  }
0x45: {  	_ =	shalt  }
0x46: {  	_ =	shalt  }
0x47: {  	_ =	shalt  }
0x48: {  	_ =	shalt  }
0x49: {  	_ =	shalt  }
0x4a: {  	_ =	shalt  }
0x4b: {  	_ =	shalt  }
0x4c: {  	_ =	shalt  }
0x4d: {  	_ =	shalt  }
0x4e: {  	_ =	shalt  }
0x4f: {  	_ =	shalt  }
0x50: {  	_ =	shalt  }
0x51: {  	_ =	shalt  }
0x52: {  	_ =	shalt  }
0x53: {  	_ =	shalt  }
0x54: {  	_ =	shalt  }
0x55: {  	_ =	shalt  }
0x56: {  	_ =	shalt  }
0x57: {  	_ =	shalt  }
0x58: {  	_ =	shalt  }
0x59: {  	_ =	shalt  }
0x5a: {  	_ =	shalt  }
0x5b: {  	_ =	shalt  }
0x5c: {  	_ =	shalt  }
0x5d: {  	_ =	shalt  }
0x5e: {  	_ =	shalt  }
0x5f: {  	_ =	shalt  }
0x60: {  	_ =	shalt  }
0x61: {  	_ =	shalt  }
0x62: {  	_ =	shalt  }
0x63: {  	_ =	shalt  }
0x64: {  	_ =	shalt  }
0x65: {  	_ =	shalt  }
0x66: {  	_ =	shalt  }
0x67: {  	_ =	shalt  }
0x68: {  	_ =	shalt  }
0x69: {  	_ =	shalt  }
0x6a: {  	_ =	shalt  }
0x6b: {  	_ =	shalt  }
0x6c: {  	_ =	shalt  }
0x6d: {  	_ =	shalt  }
0x6e: {  	_ =	shalt  }
0x6f: {  	_ =	shalt  }
0x70: {  	_ =	shalt  }
0x71: {  	_ =	shalt  }
0x72: {  	_ =	shalt  }
0x73: {  	_ =	shalt  }
0x74: {  	_ =	shalt  }
0x75: {  	_ =	shalt  }
0x76: {  	_ =	shalt  }
0x77: {  	_ =	shalt  }
0x78: {  	_ =	shalt  }
0x79: {  	_ =	shalt  }
0x7a: {  	_ =	shalt  }
0x7b: {  	_ =	shalt  }
0x7c: {  	_ =	shalt  }
0x7d: {  	_ =	shalt  }
0x7e: {  	_ =	shalt  }
0x7f: {  	_ =	shalt  }
0x80: {  	_ =	shalt  }
0x81: {  	_ =	shalt  }
0x82: {  	_ =	shalt  }
0x83: {  	_ =	shalt  }
0x84: {  	_ =	shalt  }
0x85: {  	_ =	shalt  }
0x86: {  	_ =	shalt  }
0x87: {  	_ =	shalt  }
.Lfunc_end0:
.L_simem_size_0:
called_computation_lowered:
.L_overlay_start_0:
0x88: {  	s2 =	sld [smem:$0x3FD9]  }
0x89: {  	s3 =	sld [smem:$0x3FFE];
	_ =	sdelay $0x1  }
0x8a: {  	s1 =	srdreg.scid  }
0x8b: {  	s0 =	sand.u32 $0x1, s1  }
0x8c: {  	s15 =	sshll.u32 s0, $0xA;
	s2 =	sadd.s32 s3, s2  }
0x8d: {  	s2 =	sadd.s32 s2, s15  }
0x8e: {  	[smem:$0x3FBC] =	sst s2  }
0x8f: {  	_ = 	snop  }
0x90: {  	s2 =	sld [smem:$0x3FD0];
	_ =	sdelay $0x1  }
0x91: {  	s16 =	sld [smem:$0x3FC9]  }
0x92: {  	s5 =	simm.s32 $0xA;
	s6 =	simm.s32 $0x10;
	s4 =	sld [smem:$0x3FC4]  }
0x93: {  	[smem:s6], [sflag:s5] =	dma.local [hbm:s2], $0x1  }
0x94: {  	_ =	swait.eq [sflag:s5], $0x1  }
0x95: {  	[sflag:s5] =	ssyncset.done $0x0  }
0x96: {  	[sflag:s5] =	ssyncadd.s32 $0xFFFFFFFF  }
0x97: {  	s17 =	sld [smem:$0x11];
	(tm) =	ssettm $0x1  }
0x98: {  	s18 =	sld [smem:$0x3FFB];
	_ =	sdelay $0x3  }
0x99: {  	_ =	strace s18  }
0x9a: {  	s5 =	sld [smem:$0x3FFC];
	_ =	sdelay $0x3  }
0x9b: {  	_ =	strace s5  }
0x9c: {  	s5 =	sld [smem:$0x3FFD];
	_ =	sdelay $0x3  }
0x9d: {  	_ =	strace s5  }
0x9e: {  	_ =	strace $0x8FFFFFFF  }
0x9f: {  	s19 =	sld [smem:$0x3FDB];
	_ =	sdelay $0x1  }
0xa0: {  	s20 =	simm.s32 $_scs_section_size  }
0xa1: {  	s7 =	simm.s32 $_size__tile_overlayer_lowered;
	s8 =	simm.s32 $_tile_overlayer_lowered  }
0xa2: {  	s23 =	simm.s32 $0x1BFF;
	s22 =	sshll.u32 s8, $0x1;
	s5 =	sadd.s32 s20, s19  }
0xa3: {  	s9 =	simm.s32 $0x0;
	s21 =	sshll.u32 s7, $0x1;
	s7 =	sadd.s32 s22, s5  }
0xa4: {  	[timem:s9], [sflag:s23] =	dma.local [hbm:s7], s21  }
0xa5: {  	_ =	swait.ge [sflag:s23], s21  }
0xa6: {  	s6 =	ssub.s32 $0x0, s21;
	[sflag:s23] =	ssyncset.done $0x0  }
0xa7: {  	[sflag:s23] =	ssyncadd.s32 s6;
	_ =	sdelay $0x1  }
0xa8: {  	s24 =	simm.s32 $0x1B8B  }
0xa9: {  	_ =	swait.ge [sflag:s24], $0x1  }
0xaa: {  	[sflag:s24] =	ssyncset.done $0x0  }
0xab: {  	s25 =	simm.s32 $0x1B8E;
	[sflag:s24] =	ssyncadd.s32 $0xFFFFFFFF  }
0xac: {  	s26 =	simm.s32 $execute0_lowered;
	[smem:$0x3FD2] =	sst s25  }
0xad: {  	s6 =	sshll.u32 s26, $0x1;
	_ =	strace $0x80000046;
	[dreg:$0x1] =	wrdreg $0xFFFFFFFF  }
0xae: {  	s28 =	simm.s32 $_size_execute0_lowered;
	s5 =	sadd.s32 s5, s6;
	[dreg:$0x0] =	wrdreg $0x0  }
0xaf: {  	s6 =	sshll.u32 s28, $0x1;
	[dreg:$0x2] =	wrdreg s5  }
0xb0: {  	[dreg:$0x3] =	wrdreg s6  }
0xb1: {  	[dreg:$0x4] =	wrdreg $0xC0  }
0xb2: {  	_ =	task [dreg:s9], $0x5FFFF  }
0xb3: {  	[dreg:$0x1] =	wrdreg $0xFFFFFFFF  }
0xb4: {  	[dreg:$0x0] =	wrdreg $0x60  }
0xb5: {  	[dreg:$0x2] =	wrdreg s16  }
0xb6: {  	[dreg:$0x3] =	wrdreg s4  }
0xb7: {  	[dreg:$0x4] =	wrdreg s17  }
0xb8: {  	[dreg:$0x5] =	wrdreg $0x9  }
0xb9: {  	_ =	task.clear_ibuf [dreg:s9], $0x6FFFF;
	_ =	strace $0x90000046  }
0xba: {  	s29 =	simm.s32 $0x9;
	_ =	strace $0x80000048  }
0xbb: {  	_ =	swait.ge [sflag:s29], $0x1  }
0xbc: {  	[sflag:s29] =	ssyncadd.s32 $0xFFFFFFFF  }
0xbd: {  	_ =	strace $0x90000048  }
0xbe: {  	_ =	sfence  }
0xbf: {  	s30 =	sld [smem:$0x0];
	_ =	sdelay $0x2  }
0xc0: {  	s31 =	sshll.u32 s1, $0xD;
	s1 =	sshrl.u32 s1, $0x2  }
0xc1: {  	s3 =	sand.u32 $0x4000, s31;
	s1 =	sadd.s32 s1, s30  }
0xc2: {  	s0 =	sor.u32 s3, s0;
	s1 =	sshll.u32 s1, $0x11  }
0xc3: {  	s0 =	sor.u32 s1, s0  }
0xc4: {  	s0 =	sadd.s32 $0x8F2B, s0  }
0xc5: {  	[sflag:s0] =	ssyncadd.remote.s32 $0x1  }
0xc6: {  	_ =	sfence.sel $0xFFFF  }
0xc7: {  	[dreg:$0x0] =	wrdreg $0xFFFFFFFF;
	(pc) =	sbr.abs _section_cstart, $3  }
0xc8: {  	[dreg:$0x1] =	wrdreg $0xFFFFFFFF  }
0xc9: {  	_ =	task.clear_ibuf [dreg:s9], $0x2FFFF;
	_ =	strace $0x9FFFFFFF  }
0xca: {  	(tm) =	ssettm $0x7FFFFFFF  }
0xcb: {  	_ =	shalt  }
tec
execute0_lowered:
.L_overlay_start_1:
0x0: {  	(tag) =	ssettag $0x1  }
0x1: {  	s0 =	srdreg.scid  }
0x2: {  	s0 =	sand.u32 $0x1, s0  }
0x3: {  	s1 =	stileid.u32;
	p0 =	seq.s32 s0, $0x1  }
0x4: {  	p1 =	sgt.u32 @!p0 s1, $0x7  }
0x5: {  	p0 =	por p0, p1  }
.Ltmp0:
0x6: {  	s5 =	rddreg [dreg:$0x0];
	(pc) =	sbr.rel @p0 .LBB2_4-.Ltmp0, $4  }
0x7: {  	s3 =	rddreg [dreg:$0x1]  }
0x8: {  	s2 =	rddreg [dreg:$0x2];
	s4 =	simm.s32 $0x0  }
0x9: {  	[smem:$0x7FF] =	sst s4  }
0xa: {  	s0 =	rddreg [dreg:$0x3];
	_ =	strace $0x80000047  }
0xb: {  	[tilespmem:s4], [sflag:$0x2] =	stream.linear.gather [hbm4b:s5+s4], $0x80, $0x38;
	[tilespmem:$0x2100] =	vst v63  }
0xc: {  	s26 =	simm.s32 $0x2  }
0xd: {  	s6 =	sshll.u32 s1, $0x4;
	_ =	swait.ge [sflag:s26], $0x80  }
0xe: {  	s28 =	simm.s32 $0x40;
	s6 =	sadd.s32 $0x80, s6;
	[sflag:s26] =	ssyncset.done $0x0  }
0xf: {  	s7 =	simm.s32 $0x80;
	s29 =	simm.s32 $0x1;
	v0 =	vmov s6;
	[sflag:s26] =	ssyncadd.s32 $0xFFFFFF80  }
0x10: {  	[tilespmem:s7], [sflag:$0x1] =	stream.indirect.gather [hbm4b:s3+s28], $0x80, s4, s28, $0xb8;
	[tilespmem:$0x2100] =	vst v63  }
0x11: {  	_ =	swait.ge [sflag:s29], $0x2000  }
0x12: {  	[sflag:s29] =	ssyncset.done $0x0  }
0x13: {  	s30 =	sshll.u32 s1, $0x1;
	s31 =	simm.s32 $0x0;
	[sflag:s29] =	ssyncadd.s32 $0xFFFFE000  }
0x14: {  	v1 =	vimm.f32 $0.0e+00;
	s2 =	sadd.s32 s2, s30;
	s3 =	simm.s32 $0x200;
	v2 =	vld.idx.msk [tilespmem:v0+s31+$0x0 ss:$0x1], $0xffff  }
.LBB2_2:
0x15: {  	p0 =	sne.s32 s3, $0x7E00  }
.Ltmp1:
0x16: {  	_ = 	snop;
	(pc) =	sbr.rel @p0 .LBB2_2-.Ltmp1, $3  }
0x17: {  	_ =	sdelay $0x1  }
0x18: {  	s4 =	sshra.s32 s3, $0x2;
	s3 =	sadd.s32 $0x200, s3  }
0x19: {  	v1 =	vadd.f32 v2, v1;
	v2 =	vld.idx.msk [tilespmem:v0+s4+$0x0 ss:$0x1], $0xffff  }
0x1a: {  	_ =	sdelay $0x3  }
0x1b: {  	v0 =	vadd.f32 v2, v1;
	_ =	sdelay $0x1  }
0x1c: {  	v0 =	vmul.f32 $1.562500000e-02, v0;
	_ =	sdelay $0x1  }
0x1d: {  	s3 =	simm.s32 $0x0;
	s4 =	simm.s32 $0x2080;
	s31 =	simm.s32 $0x2;
	[tilespmem:$0x2080] =	vst v0  }
0x1e: {  	[hbm4b:s2+s3] =	stream.linear.scatter [tilespmem:s4], [sflag:$0x2], $0x10, $0x38;
	[tilespmem:$0x2100] =	vst v63  }
0x1f: {  	_ =	swait.ge [sflag:s31], $0x10  }
0x20: {  	[sflag:s31] =	ssyncset.done $0x0  }
0x21: {  	[sflag:s31] =	ssyncadd.s32 $0xFFFFFFF0  }
.LBB2_4:
0x22: {  	_ =	sfence.sel $0x180000  }
0x23: {  	[bflag:$0x0] =	sbarrier.arrive $0xFFFF  }
0x24: {  	p0 =	sne.s32 s1, $0x0;
	_ =	strace $0x90000047  }
0x25: {  	s0 =	sadd.s32 @!p0 $0x100000, s0;
	[bflag:$0x2] =	sbarrier.arrive $0xFFFF  }
0x26: {  	[sflag:s0] =	ssyncadd.tile.s32 @!p0 $0x1;
	_ =	shalt  }
.Lfunc_end2:
_tile_overlayer_lowered:
.L_overlay_start_2:
0x27: {  	(tag) =	ssettag $0x2  }
0x28: {  	s0 =	rddreg [dreg:$0x0];
	s2 =	stileid.u32  }
0x29: {  	s1 =	rddreg [dreg:$0x1];
	p0 =	sne.s32 s2, $0x0  }
0x2a: {  	s3 =	rddreg [dreg:$0x2];
	[bflag:$0x3] =	sbarrier.arrive $0xFFFF;
	s2 =	simm.s32 @!p0 $0x1C02  }
0x2b: {  	[timem:s3], [sflag:s2] =	dma.local @!p0 [hbm:s0], s1  }
0x2c: {  	s0 =	simm.s32 @!p0 $0x2  }
0x2d: {  	_ =	swait.ge @!p0 [sflag:s0], s1  }
0x2e: {  	s1 =	ssub.s32 @!p0 $0x0, s1;
	[sflag:s0] =	ssyncset.done @!p0 $0x0  }
0x2f: {  	[sflag:s0] =	ssyncadd.s32 @!p0 s1  }
0x30: {  	[bflag:$0x3] =	sbarrier.arrive $0xFFFF  }
0x31: {  	_ =	shalt  }

</sc_bundles>
